<compile_context>
chip_gen: v7x
topology: tpu7x:2x2x1
jax: 0.10.2.dev20260603
libtpu: 0.0.44.dev20260713+nightly
codegen_flags: <defaults>
</compile_context>

<pallas_src>
import functools

import jax
import jax.numpy as jnp
from jax import lax
from jax.experimental import pallas as pl
from jax.experimental.pallas import tpu as pltpu
from jax.experimental.pallas import tpu_sc as plsc

VOCAB = 1000000
DIM = 16
B = 16384
NEG = 5

NC = 2
NS = 16
NW = NC * NS
CH = 128


def _make_sc_gather(n):
    rpw = n // NW
    nch = rpw // CH
    mesh = plsc.VectorSubcoreMesh(core_axis_name="c", subcore_axis_name="s")

    @functools.partial(
        pl.kernel,
        mesh=mesh,
        compiler_params=pltpu.CompilerParams(use_tc_tiling_on_sc=False),
        out_type=jax.ShapeDtypeStruct((n, DIM), jnp.float32),
        scratch_types=[
            pltpu.VMEM((nch, CH), jnp.int32),
            pltpu.VMEM((rpw, DIM), jnp.float32),
            pltpu.SemaphoreType.DMA,
        ],
    )
    def k(tab_hbm, idx_hbm, out_hbm, idx_v, rows_v, sem):
        wid = lax.axis_index("s") * NC + lax.axis_index("c")
        pltpu.sync_copy(idx_hbm.at[pl.ds(wid * nch, nch)], idx_v)
        descs = []
        for j in range(nch):
            descs.append(pltpu.async_copy(
                tab_hbm.at[idx_v.at[j]], rows_v.at[pl.ds(j * CH, CH)], sem))
        for d in descs:
            d.wait()
        pltpu.sync_copy(rows_v, out_hbm.at[pl.ds(wid * rpw, rpw)])

    return k


def _tc_score(u_rows3, vx_rows3):
    NBLK = 16
    BB = B // NBLK
    BBS = BB // 8

    def body(u_ref, v0, n1, n2, n3, n4, n5, out_ref, a_pos, a_xs, a_m, a_e):
        i = pl.program_id(0)
        u = u_ref[...].reshape(BB, DIM)
        s = jnp.sum(u * v0[...].reshape(BB, DIM), axis=1)
        ls = jnp.minimum(s, 0.0) - jnp.log1p(jnp.exp(-jnp.abs(s)))
        negsum = (n1[...] + n2[...] + n3[...] + n4[...] + n5[...]
                  ).reshape(BB, DIM)
        x = -jnp.sum(negsum * u, axis=1)
        bmax = jnp.max(x)
        bpos = jnp.full((1, 128), jnp.sum(ls), jnp.float32)
        bxs = jnp.full((1, 128), jnp.sum(x), jnp.float32)
        bm = jnp.full((1, 128), bmax, jnp.float32)
        be = jnp.full((1, 128), jnp.sum(jnp.exp(x - bmax)), jnp.float32)

        @pl.when(i == 0)
        def _():
            a_pos[...] = bpos
            a_xs[...] = bxs
            a_m[...] = bm
            a_e[...] = be

        @pl.when(i > 0)
        def _():
            m_old = a_m[...]
            m_new = jnp.maximum(m_old, bm)
            a_e[...] = a_e[...] * jnp.exp(m_old - m_new) + be * jnp.exp(bm - m_new)
            a_m[...] = m_new
            a_pos[...] = a_pos[...] + bpos
            a_xs[...] = a_xs[...] + bxs

        @pl.when(i == NBLK - 1)
        def _():
            lse = a_m[...] + jnp.log(a_e[...])
            loss_neg = a_xs[...] - jnp.float32(B) * lse
            out_ref[...] = -(a_pos[...] + loss_neg)

    out = pl.pallas_call(
        body,
        grid=(NBLK,),
        in_specs=[pl.BlockSpec((BBS, 8, DIM), lambda i: (i, 0, 0))]
        + [pl.BlockSpec((BBS, 8, DIM), (lambda i, k=k: (k * NBLK + i, 0, 0)))
           for k in range(NEG + 1)],
        out_specs=pl.BlockSpec((1, 128), lambda i: (0, 0)),
        out_shape=jax.ShapeDtypeStruct((1, 128), jnp.float32),
        scratch_shapes=[pltpu.VMEM((1, 128), jnp.float32) for _ in range(4)],
    )(u_rows3, vx_rows3, vx_rows3, vx_rows3, vx_rows3, vx_rows3, vx_rows3)
    return out[0, 0]


def kernel(center, context, neg_v, u_emb, v_emb):
    center = center.astype(jnp.int32)
    context = context.astype(jnp.int32)
    neg_v = neg_v.astype(jnp.int32)
    vx_idx = jnp.concatenate([context, jnp.swapaxes(neg_v, 0, 1).reshape(-1)])
    cidx2 = center.reshape(B // CH, CH)
    vxidx2 = vx_idx.reshape((NEG + 1) * B // CH, CH)
    vx_rows = _make_sc_gather((NEG + 1) * B)(v_emb, vxidx2)
    u_rows = _make_sc_gather(B)(u_emb, cidx2)
    nv = (NEG + 1) * B
    return _tc_score(u_rows.reshape(B // 8, 8, DIM),
                     vx_rows.reshape(nv // 8, 8, DIM))

# --- scband reference (transcript-rebuilt; emitter-appended) ---
"""Pipeline reference for scband-sgns-52725018526255 (READ-ONLY COPY).

The authoritative reference and input builder live on the scoring server;
editing this copy changes nothing except your own understanding.
"""

import jax, jax.numpy as jnp
import numpy as np

VOCAB = 1000000
DIM = 16
B = 16384
NEG = 5

def setup_inputs(seed: int = 0) -> dict:
    key = jax.random.key(seed)
    k1, k2, k3, k4, k5 = jax.random.split(key, 5)
    center = jax.random.randint(k1, (B,), 0, VOCAB, dtype=jnp.int64) if jax.config.jax_enable_x64 else jax.random.randint(k1, (B,), 0, VOCAB).astype(jnp.int32)
    context = jax.random.randint(k2, (B,), 0, VOCAB).astype(center.dtype)
    neg_v = jax.random.randint(k3, (B, NEG), 0, VOCAB).astype(center.dtype)
    u_emb = jax.random.normal(k4, (VOCAB, DIM), dtype=jnp.float32) * 0.02
    v_emb = jax.random.normal(k5, (VOCAB, DIM), dtype=jnp.float32) * 0.02
    return {"center": center, "context": context, "neg_v": neg_v, "u_emb": u_emb, "v_emb": v_emb}

def reference(center, context, neg_v, u_emb, v_emb):
    # emb_u = self.u_embeddings(center); emb_v = self.v_embeddings(context)
    emb_u = jnp.take(u_emb, center, axis=0)            # [B, D]
    emb_v = jnp.take(v_emb, context, axis=0)           # [B, D]
    # score = sum(emb_u * emb_v, dim=1); logsigmoid; sum
    score = jnp.sum(emb_u * emb_v, axis=1)             # [B]
    score = jax.nn.log_sigmoid(score)
    loss_pos = jnp.sum(score)
    # neg_emb_v = self.v_embeddings(neg_v); bmm(neg_emb_v, emb_u.unsqueeze(2)).squeeze()
    neg_emb_v = jnp.take(v_emb, neg_v, axis=0)         # [B, NEG, D]
    neg_score = jnp.einsum('bkd,bd->bk', neg_emb_v, emb_u)  # [B, NEG]
    neg_score = jnp.sum(neg_score, axis=1)             # [B]
    # F.log_softmax on a 1D tensor -> softmax over dim 0
    neg_score = jax.nn.log_softmax(-1.0 * neg_score, axis=0)
    loss_neg = jnp.sum(neg_score)
    return -1.0 * (loss_pos + loss_neg)

if __name__ == "__main__":
    import jax
    _d = setup_inputs()
    print(jax.jit(kernel)(*tuple(_d.values())))

</pallas_src>

<mosaic_0001>
#map = affine_map<(d0, d1) -> (0, 0)>
module attributes {stable_mosaic.version = 14 : i64} {
  func.func @k(%arg0: i32, %arg1: i32, %arg2: memref<1000000x16xf32, #tpu.memory_space<hbm>>, %arg3: memref<768x128xi32, #tpu.memory_space<hbm>>, %arg4: memref<98304x16xf32, #tpu.memory_space<hbm>>, %arg5: memref<24x128xi32, #tpu.memory_space<vmem>>, %arg6: memref<3072x16xf32, #tpu.memory_space<vmem>>, %arg7: memref<!tpu.dma_semaphore, #tpu.memory_space<semaphore_mem>>) attributes {dimension_semantics = [#tpu.dimension_semantics<core_parallel>, #tpu.dimension_semantics<subcore_parallel>], iteration_bounds = array<i64: 2, 16>, scalar_prefetch = 0 : i64, scratch_operands = 3 : i64, tpu.core_type = #tpu.core_type<sc_vector_subcore>, window_params = [{transform_indices = #map}, {transform_indices = #map}, {transform_indices = #map}]} {
    %mul3A = arith.constant 2 : i32
    %mul3A_0 = arith.muli %arg1, %mul3A : i32
    %add3A = arith.addi %mul3A_0, %arg0 : i32
    %mul3A_1 = arith.constant 24 : i32
    %mul3A_2 = arith.muli %add3A, %mul3A_1 : i32
    "tpu.region"() ({
      %run_scoped3A = tpu.sem_alloc : memref<!tpu.dma_semaphore, #tpu.memory_space<semaphore_mem>>
      %dma_start3A_483 = arith.constant 0 : i32
      %dma_start3A_484 = tpu.memref_slice %arg3[%mul3A_2, %dma_start3A_483] : memref<768x128xi32, #tpu.memory_space<hbm>> -> memref<24x128xi32, #tpu.memory_space<hbm>>
      %dma_start3A_485 = arith.constant 0 : i32
      %dma_start3A_486 = tpu.memref_slice %arg3[%mul3A_2, %dma_start3A_485] : memref<768x128xi32, #tpu.memory_space<hbm>> -> memref<24x128xi32, #tpu.memory_space<hbm>>
      tpu.enqueue_dma source(%dma_start3A_486 : memref<24x128xi32, #tpu.memory_space<hbm>>) target(%arg5 : memref<24x128xi32, #tpu.memory_space<vmem>>) target_semaphore(%run_scoped3A : memref<!tpu.dma_semaphore, #tpu.memory_space<semaphore_mem>>)
      %dma_wait3A_487 = arith.constant 0 : i32
      %dma_wait3A_488 = tpu.memref_slice %arg3[%mul3A_2, %dma_wait3A_487] : memref<768x128xi32, #tpu.memory_space<hbm>> -> memref<24x128xi32, #tpu.memory_space<hbm>>
      %dma_wait3A_489 = arith.constant 0 : i32
      %dma_wait3A_490 = tpu.memref_slice %arg3[%mul3A_2, %dma_wait3A_489] : memref<768x128xi32, #tpu.memory_space<hbm>> -> memref<24x128xi32, #tpu.memory_space<hbm>>
      tpu.wait_dma2 semaphore(%run_scoped3A : memref<!tpu.dma_semaphore, #tpu.memory_space<semaphore_mem>>) src(%dma_wait3A_490 : memref<24x128xi32, #tpu.memory_space<hbm>>) dst(%arg5 : memref<24x128xi32, #tpu.memory_space<vmem>>)
      tpu.yield
    }) : () -> ()
    %dma_start3A = arith.constant 0 : i32
    %dma_start3A_3 = arith.constant 0 : i32
    %dma_start3A_4 = arith.constant 0 : i32
    %dma_start3A_5 = tpu.memref_slice %arg6[%dma_start3A_3, %dma_start3A_4] : memref<3072x16xf32, #tpu.memory_space<vmem>> -> memref<128x16xf32, #tpu.memory_space<vmem>>
    %dma_start3A_6 = arith.constant 0 : i32
    %dma_start3A_7 = tpu.memref_slice %arg5[%dma_start3A, %dma_start3A_6] : memref<24x128xi32, #tpu.memory_space<vmem>> -> memref<1x128xi32, #tpu.memory_space<vmem>>
    %dma_start3A_8 = tpu.memref_squeeze %dma_start3A_7 : memref<1x128xi32, #tpu.memory_space<vmem>> -> memref<128xi32, #tpu.memory_space<vmem>>
    %dma_start3A_9 = arith.constant 0 : i32
    %dma_start3A_10 = arith.constant 0 : i32
    %dma_start3A_11 = tpu.memref_slice %arg2[%dma_start3A_9, %dma_start3A_10] : memref<1000000x16xf32, #tpu.memory_space<hbm>> -> memref<1000000x16xf32, #tpu.memory_space<hbm>>
    tpu.enqueue_indirect_dma source(%dma_start3A_11 : memref<1000000x16xf32, #tpu.memory_space<hbm>>) target(%dma_start3A_5 : memref<128x16xf32, #tpu.memory_space<vmem>>) offsets(%dma_start3A_8 : memref<128xi32, #tpu.memory_space<vmem>>) semaphore(%arg7 : memref<!tpu.dma_semaphore, #tpu.memory_space<semaphore_mem>>)
    %dma_start3A_12 = arith.constant 1 : i32
    %dma_start3A_13 = arith.constant 128 : i32
    %dma_start3A_14 = arith.constant 0 : i32
    %dma_start3A_15 = tpu.memref_slice %arg6[%dma_start3A_13, %dma_start3A_14] : memref<3072x16xf32, #tpu.memory_space<vmem>> -> memref<128x16xf32, #tpu.memory_space<vmem>>
    %dma_start3A_16 = arith.constant 0 : i32
    %dma_start3A_17 = tpu.memref_slice %arg5[%dma_start3A_12, %dma_start3A_16] : memref<24x128xi32, #tpu.memory_space<vmem>> -> memref<1x128xi32, #tpu.memory_space<vmem>>
    %dma_start3A_18 = tpu.memref_squeeze %dma_start3A_17 : memref<1x128xi32, #tpu.memory_space<vmem>> -> memref<128xi32, #tpu.memory_space<vmem>>
    %dma_start3A_19 = arith.constant 0 : i32
    %dma_start3A_20 = arith.constant 0 : i32
    %dma_start3A_21 = tpu.memref_slice %arg2[%dma_start3A_19, %dma_start3A_20] : memref<1000000x16xf32, #tpu.memory_space<hbm>> -> memref<1000000x16xf32, #tpu.memory_space<hbm>>
    tpu.enqueue_indirect_dma source(%dma_start3A_21 : memref<1000000x16xf32, #tpu.memory_space<hbm>>) target(%dma_start3A_15 : memref<128x16xf32, #tpu.memory_space<vmem>>) offsets(%dma_start3A_18 : memref<128xi32, #tpu.memory_space<vmem>>) semaphore(%arg7 : memref<!tpu.dma_semaphore, #tpu.memory_space<semaphore_mem>>)
    %dma_start3A_22 = arith.constant 2 : i32
    %dma_start3A_23 = arith.constant 256 : i32
    %dma_start3A_24 = arith.constant 0 : i32
    %dma_start3A_25 = tpu.memref_slice %arg6[%dma_start3A_23, %dma_start3A_24] : memref<3072x16xf32, #tpu.memory_space<vmem>> -> memref<128x16xf32, #tpu.memory_space<vmem>>
    %dma_start3A_26 = arith.constant 0 : i32
    %dma_start3A_27 = tpu.memref_slice %arg5[%dma_start3A_22, %dma_start3A_26] : memref<24x128xi32, #tpu.memory_space<vmem>> -> memref<1x128xi32, #tpu.memory_space<vmem>>
    %dma_start3A_28 = tpu.memref_squeeze %dma_start3A_27 : memref<1x128xi32, #tpu.memory_space<vmem>> -> memref<128xi32, #tpu.memory_space<vmem>>
    %dma_start3A_29 = arith.constant 0 : i32
    %dma_start3A_30 = arith.constant 0 : i32
    %dma_start3A_31 = tpu.memref_slice %arg2[%dma_start3A_29, %dma_start3A_30] : memref<1000000x16xf32, #tpu.memory_space<hbm>> -> memref<1000000x16xf32, #tpu.memory_space<hbm>>
    tpu.enqueue_indirect_dma source(%dma_start3A_31 : memref<1000000x16xf32, #tpu.memory_space<hbm>>) target(%dma_start3A_25 : memref<128x16xf32, #tpu.memory_space<vmem>>) offsets(%dma_start3A_28 : memref<128xi32, #tpu.memory_space<vmem>>) semaphore(%arg7 : memref<!tpu.dma_semaphore, #tpu.memory_space<semaphore_mem>>)
    %dma_start3A_32 = arith.constant 3 : i32
    %dma_start3A_33 = arith.constant 384 : i32
    %dma_start3A_34 = arith.constant 0 : i32
    %dma_start3A_35 = tpu.memref_slice %arg6[%dma_start3A_33, %dma_start3A_34] : memref<3072x16xf32, #tpu.memory_space<vmem>> -> memref<128x16xf32, #tpu.memory_space<vmem>>
    %dma_start3A_36 = arith.constant 0 : i32
    %dma_start3A_37 = tpu.memref_slice %arg5[%dma_start3A_32, %dma_start3A_36] : memref<24x128xi32, #tpu.memory_space<vmem>> -> memref<1x128xi32, #tpu.memory_space<vmem>>
    %dma_start3A_38 = tpu.memref_squeeze %dma_start3A_37 : memref<1x128xi32, #tpu.memory_space<vmem>> -> memref<128xi32, #tpu.memory_space<vmem>>
    %dma_start3A_39 = arith.constant 0 : i32
    %dma_start3A_40 = arith.constant 0 : i32
    %dma_start3A_41 = tpu.memref_slice %arg2[%dma_start3A_39, %dma_start3A_40] : memref<1000000x16xf32, #tpu.memory_space<hbm>> -> memref<1000000x16xf32, #tpu.memory_space<hbm>>
    tpu.enqueue_indirect_dma source(%dma_start3A_41 : memref<1000000x16xf32, #tpu.memory_space<hbm>>) target(%dma_start3A_35 : memref<128x16xf32, #tpu.memory_space<vmem>>) offsets(%dma_start3A_38 : memref<128xi32, #tpu.memory_space<vmem>>) semaphore(%arg7 : memref<!tpu.dma_semaphore, #tpu.memory_space<semaphore_mem>>)
    %dma_start3A_42 = arith.constant 4 : i32
    %dma_start3A_43 = arith.constant 512 : i32
    %dma_start3A_44 = arith.constant 0 : i32
    %dma_start3A_45 = tpu.memref_slice %arg6[%dma_start3A_43, %dma_start3A_44] : memref<3072x16xf32, #tpu.memory_space<vmem>> -> memref<128x16xf32, #tpu.memory_space<vmem>>
    %dma_start3A_46 = arith.constant 0 : i32
    %dma_start3A_47 = tpu.memref_slice %arg5[%dma_start3A_42, %dma_start3A_46] : memref<24x128xi32, #tpu.memory_space<vmem>> -> memref<1x128xi32, #tpu.memory_space<vmem>>
    %dma_start3A_48 = tpu.memref_squeeze %dma_start3A_47 : memref<1x128xi32, #tpu.memory_space<vmem>> -> memref<128xi32, #tpu.memory_space<vmem>>
    %dma_start3A_49 = arith.constant 0 : i32
    %dma_start3A_50 = arith.constant 0 : i32
    %dma_start3A_51 = tpu.memref_slice %arg2[%dma_start3A_49, %dma_start3A_50] : memref<1000000x16xf32, #tpu.memory_space<hbm>> -> memref<1000000x16xf32, #tpu.memory_space<hbm>>
    tpu.enqueue_indirect_dma source(%dma_start3A_51 : memref<1000000x16xf32, #tpu.memory_space<hbm>>) target(%dma_start3A_45 : memref<128x16xf32, #tpu.memory_space<vmem>>) offsets(%dma_start3A_48 : memref<128xi32, #tpu.memory_space<vmem>>) semaphore(%arg7 : memref<!tpu.dma_semaphore, #tpu.memory_space<semaphore_mem>>)
    %dma_start3A_52 = arith.constant 5 : i32
    %dma_start3A_53 = arith.constant 640 : i32
    %dma_start3A_54 = arith.constant 0 : i32
    %dma_start3A_55 = tpu.memref_slice %arg6[%dma_start3A_53, %dma_start3A_54] : memref<3072x16xf32, #tpu.memory_space<vmem>> -> memref<128x16xf32, #tpu.memory_space<vmem>>
    %dma_start3A_56 = arith.constant 0 : i32
    %dma_start3A_57 = tpu.memref_slice %arg5[%dma_start3A_52, %dma_start3A_56] : memref<24x128xi32, #tpu.memory_space<vmem>> -> memref<1x128xi32, #tpu.memory_space<vmem>>
    %dma_start3A_58 = tpu.memref_squeeze %dma_start3A_57 : memref<1x128xi32, #tpu.memory_space<vmem>> -> memref<128xi32, #tpu.memory_space<vmem>>
    %dma_start3A_59 = arith.constant 0 : i32
    %dma_start3A_60 = arith.constant 0 : i32
    %dma_start3A_61 = tpu.memref_slice %arg2[%dma_start3A_59, %dma_start3A_60] : memref<1000000x16xf32, #tpu.memory_space<hbm>> -> memref<1000000x16xf32, #tpu.memory_space<hbm>>
    tpu.enqueue_indirect_dma source(%dma_start3A_61 : memref<1000000x16xf32, #tpu.memory_space<hbm>>) target(%dma_start3A_55 : memref<128x16xf32, #tpu.memory_space<vmem>>) offsets(%dma_start3A_58 : memref<128xi32, #tpu.memory_space<vmem>>) semaphore(%arg7 : memref<!tpu.dma_semaphore, #tpu.memory_space<semaphore_mem>>)
    %dma_start3A_62 = arith.constant 6 : i32
    %dma_start3A_63 = arith.constant 768 : i32
    %dma_start3A_64 = arith.constant 0 : i32
    %dma_start3A_65 = tpu.memref_slice %arg6[%dma_start3A_63, %dma_start3A_64] : memref<3072x16xf32, #tpu.memory_space<vmem>> -> memref<128x16xf32, #tpu.memory_space<vmem>>
    %dma_start3A_66 = arith.constant 0 : i32
    %dma_start3A_67 = tpu.memref_slice %arg5[%dma_start3A_62, %dma_start3A_66] : memref<24x128xi32, #tpu.memory_space<vmem>> -> memref<1x128xi32, #tpu.memory_space<vmem>>
    %dma_start3A_68 = tpu.memref_squeeze %dma_start3A_67 : memref<1x128xi32, #tpu.memory_space<vmem>> -> memref<128xi32, #tpu.memory_space<vmem>>
    %dma_start3A_69 = arith.constant 0 : i32
    %dma_start3A_70 = arith.constant 0 : i32
    %dma_start3A_71 = tpu.memref_slice %arg2[%dma_start3A_69, %dma_start3A_70] : memref<1000000x16xf32, #tpu.memory_space<hbm>> -> memref<1000000x16xf32, #tpu.memory_space<hbm>>
    tpu.enqueue_indirect_dma source(%dma_start3A_71 : memref<1000000x16xf32, #tpu.memory_space<hbm>>) target(%dma_start3A_65 : memref<128x16xf32, #tpu.memory_space<vmem>>) offsets(%dma_start3A_68 : memref<128xi32, #tpu.memory_space<vmem>>) semaphore(%arg7 : memref<!tpu.dma_semaphore, #tpu.memory_space<semaphore_mem>>)
    %dma_start3A_72 = arith.constant 7 : i32
    %dma_start3A_73 = arith.constant 896 : i32
    %dma_start3A_74 = arith.constant 0 : i32
    %dma_start3A_75 = tpu.memref_slice %arg6[%dma_start3A_73, %dma_start3A_74] : memref<3072x16xf32, #tpu.memory_space<vmem>> -> memref<128x16xf32, #tpu.memory_space<vmem>>
    %dma_start3A_76 = arith.constant 0 : i32
    %dma_start3A_77 = tpu.memref_slice %arg5[%dma_start3A_72, %dma_start3A_76] : memref<24x128xi32, #tpu.memory_space<vmem>> -> memref<1x128xi32, #tpu.memory_space<vmem>>
    %dma_start3A_78 = tpu.memref_squeeze %dma_start3A_77 : memref<1x128xi32, #tpu.memory_space<vmem>> -> memref<128xi32, #tpu.memory_space<vmem>>
    %dma_start3A_79 = arith.constant 0 : i32
    %dma_start3A_80 = arith.constant 0 : i32
    %dma_start3A_81 = tpu.memref_slice %arg2[%dma_start3A_79, %dma_start3A_80] : memref<1000000x16xf32, #tpu.memory_space<hbm>> -> memref<1000000x16xf32, #tpu.memory_space<hbm>>
    tpu.enqueue_indirect_dma source(%dma_start3A_81 : memref<1000000x16xf32, #tpu.memory_space<hbm>>) target(%dma_start3A_75 : memref<128x16xf32, #tpu.memory_space<vmem>>) offsets(%dma_start3A_78 : memref<128xi32, #tpu.memory_space<vmem>>) semaphore(%arg7 : memref<!tpu.dma_semaphore, #tpu.memory_space<semaphore_mem>>)
    %dma_start3A_82 = arith.constant 8 : i32
    %dma_start3A_83 = arith.constant 1024 : i32
    %dma_start3A_84 = arith.constant 0 : i32
    %dma_start3A_85 = tpu.memref_slice %arg6[%dma_start3A_83, %dma_start3A_84] : memref<3072x16xf32, #tpu.memory_space<vmem>> -> memref<128x16xf32, #tpu.memory_space<vmem>>
    %dma_start3A_86 = arith.constant 0 : i32
    %dma_start3A_87 = tpu.memref_slice %arg5[%dma_start3A_82, %dma_start3A_86] : memref<24x128xi32, #tpu.memory_space<vmem>> -> memref<1x128xi32, #tpu.memory_space<vmem>>
    %dma_start3A_88 = tpu.memref_squeeze %dma_start3A_87 : memref<1x128xi32, #tpu.memory_space<vmem>> -> memref<128xi32, #tpu.memory_space<vmem>>
    %dma_start3A_89 = arith.constant 0 : i32
    %dma_start3A_90 = arith.constant 0 : i32
    %dma_start3A_91 = tpu.memref_slice %arg2[%dma_start3A_89, %dma_start3A_90] : memref<1000000x16xf32, #tpu.memory_space<hbm>> -> memref<1000000x16xf32, #tpu.memory_space<hbm>>
    tpu.enqueue_indirect_dma source(%dma_start3A_91 : memref<1000000x16xf32, #tpu.memory_space<hbm>>) target(%dma_start3A_85 : memref<128x16xf32, #tpu.memory_space<vmem>>) offsets(%dma_start3A_88 : memref<128xi32, #tpu.memory_space<vmem>>) semaphore(%arg7 : memref<!tpu.dma_semaphore, #tpu.memory_space<semaphore_mem>>)
    %dma_start3A_92 = arith.constant 9 : i32
    %dma_start3A_93 = arith.constant 1152 : i32
    %dma_start3A_94 = arith.constant 0 : i32
    %dma_start3A_95 = tpu.memref_slice %arg6[%dma_start3A_93, %dma_start3A_94] : memref<3072x16xf32, #tpu.memory_space<vmem>> -> memref<128x16xf32, #tpu.memory_space<vmem>>
    %dma_start3A_96 = arith.constant 0 : i32
    %dma_start3A_97 = tpu.memref_slice %arg5[%dma_start3A_92, %dma_start3A_96] : memref<24x128xi32, #tpu.memory_space<vmem>> -> memref<1x128xi32, #tpu.memory_space<vmem>>
    %dma_start3A_98 = tpu.memref_squeeze %dma_start3A_97 : memref<1x128xi32, #tpu.memory_space<vmem>> -> memref<128xi32, #tpu.memory_space<vmem>>
    %dma_start3A_99 = arith.constant 0 : i32
    %dma_start3A_100 = arith.constant 0 : i32
    %dma_start3A_101 = tpu.memref_slice %arg2[%dma_start3A_99, %dma_start3A_100] : memref<1000000x16xf32, #tpu.memory_space<hbm>> -> memref<1000000x16xf32, #tpu.memory_space<hbm>>
    tpu.enqueue_indirect_dma source(%dma_start3A_101 : memref<1000000x16xf32, #tpu.memory_space<hbm>>) target(%dma_start3A_95 : memref<128x16xf32, #tpu.memory_space<vmem>>) offsets(%dma_start3A_98 : memref<128xi32, #tpu.memory_space<vmem>>) semaphore(%arg7 : memref<!tpu.dma_semaphore, #tpu.memory_space<semaphore_mem>>)
    %dma_start3A_102 = arith.constant 10 : i32
    %dma_start3A_103 = arith.constant 1280 : i32
    %dma_start3A_104 = arith.constant 0 : i32
    %dma_start3A_105 = tpu.memref_slice %arg6[%dma_start3A_103, %dma_start3A_104] : memref<3072x16xf32, #tpu.memory_space<vmem>> -> memref<128x16xf32, #tpu.memory_space<vmem>>
    %dma_start3A_106 = arith.constant 0 : i32
    %dma_start3A_107 = tpu.memref_slice %arg5[%dma_start3A_102, %dma_start3A_106] : memref<24x128xi32, #tpu.memory_space<vmem>> -> memref<1x128xi32, #tpu.memory_space<vmem>>
    %dma_start3A_108 = tpu.memref_squeeze %dma_start3A_107 : memref<1x128xi32, #tpu.memory_space<vmem>> -> memref<128xi32, #tpu.memory_space<vmem>>
    %dma_start3A_109 = arith.constant 0 : i32
    %dma_start3A_110 = arith.constant 0 : i32
    %dma_start3A_111 = tpu.memref_slice %arg2[%dma_start3A_109, %dma_start3A_110] : memref<1000000x16xf32, #tpu.memory_space<hbm>> -> memref<1000000x16xf32, #tpu.memory_space<hbm>>
    tpu.enqueue_indirect_dma source(%dma_start3A_111 : memref<1000000x16xf32, #tpu.memory_space<hbm>>) target(%dma_start3A_105 : memref<128x16xf32, #tpu.memory_space<vmem>>) offsets(%dma_start3A_108 : memref<128xi32, #tpu.memory_space<vmem>>) semaphore(%arg7 : memref<!tpu.dma_semaphore, #tpu.memory_space<semaphore_mem>>)
    %dma_start3A_112 = arith.constant 11 : i32
    %dma_start3A_113 = arith.constant 1408 : i32
    %dma_start3A_114 = arith.constant 0 : i32
    %dma_start3A_115 = tpu.memref_slice %arg6[%dma_start3A_113, %dma_start3A_114] : memref<3072x16xf32, #tpu.memory_space<vmem>> -> memref<128x16xf32, #tpu.memory_space<vmem>>
    %dma_start3A_116 = arith.constant 0 : i32
    %dma_start3A_117 = tpu.memref_slice %arg5[%dma_start3A_112, %dma_start3A_116] : memref<24x128xi32, #tpu.memory_space<vmem>> -> memref<1x128xi32, #tpu.memory_space<vmem>>
    %dma_start3A_118 = tpu.memref_squeeze %dma_start3A_117 : memref<1x128xi32, #tpu.memory_space<vmem>> -> memref<128xi32, #tpu.memory_space<vmem>>
    %dma_start3A_119 = arith.constant 0 : i32
    %dma_start3A_120 = arith.constant 0 : i32
    %dma_start3A_121 = tpu.memref_slice %arg2[%dma_start3A_119, %dma_start3A_120] : memref<1000000x16xf32, #tpu.memory_space<hbm>> -> memref<1000000x16xf32, #tpu.memory_space<hbm>>
    tpu.enqueue_indirect_dma source(%dma_start3A_121 : memref<1000000x16xf32, #tpu.memory_space<hbm>>) target(%dma_start3A_115 : memref<128x16xf32, #tpu.memory_space<vmem>>) offsets(%dma_start3A_118 : memref<128xi32, #tpu.memory_space<vmem>>) semaphore(%arg7 : memref<!tpu.dma_semaphore, #tpu.memory_space<semaphore_mem>>)
    %dma_start3A_122 = arith.constant 12 : i32
    %dma_start3A_123 = arith.constant 1536 : i32
    %dma_start3A_124 = arith.constant 0 : i32
    %dma_start3A_125 = tpu.memref_slice %arg6[%dma_start3A_123, %dma_start3A_124] : memref<3072x16xf32, #tpu.memory_space<vmem>> -> memref<128x16xf32, #tpu.memory_space<vmem>>
    %dma_start3A_126 = arith.constant 0 : i32
    %dma_start3A_127 = tpu.memref_slice %arg5[%dma_start3A_122, %dma_start3A_126] : memref<24x128xi32, #tpu.memory_space<vmem>> -> memref<1x128xi32, #tpu.memory_space<vmem>>
    %dma_start3A_128 = tpu.memref_squeeze %dma_start3A_127 : memref<1x128xi32, #tpu.memory_space<vmem>> -> memref<128xi32, #tpu.memory_space<vmem>>
    %dma_start3A_129 = arith.constant 0 : i32
    %dma_start3A_130 = arith.constant 0 : i32
    %dma_start3A_131 = tpu.memref_slice %arg2[%dma_start3A_129, %dma_start3A_130] : memref<1000000x16xf32, #tpu.memory_space<hbm>> -> memref<1000000x16xf32, #tpu.memory_space<hbm>>
    tpu.enqueue_indirect_dma source(%dma_start3A_131 : memref<1000000x16xf32, #tpu.memory_space<hbm>>) target(%dma_start3A_125 : memref<128x16xf32, #tpu.memory_space<vmem>>) offsets(%dma_start3A_128 : memref<128xi32, #tpu.memory_space<vmem>>) semaphore(%arg7 : memref<!tpu.dma_semaphore, #tpu.memory_space<semaphore_mem>>)
    %dma_start3A_132 = arith.constant 13 : i32
    %dma_start3A_133 = arith.constant 1664 : i32
    %dma_start3A_134 = arith.constant 0 : i32
    %dma_start3A_135 = tpu.memref_slice %arg6[%dma_start3A_133, %dma_start3A_134] : memref<3072x16xf32, #tpu.memory_space<vmem>> -> memref<128x16xf32, #tpu.memory_space<vmem>>
    %dma_start3A_136 = arith.constant 0 : i32
    %dma_start3A_137 = tpu.memref_slice %arg5[%dma_start3A_132, %dma_start3A_136] : memref<24x128xi32, #tpu.memory_space<vmem>> -> memref<1x128xi32, #tpu.memory_space<vmem>>
    %dma_start3A_138 = tpu.memref_squeeze %dma_start3A_137 : memref<1x128xi32, #tpu.memory_space<vmem>> -> memref<128xi32, #tpu.memory_space<vmem>>
    %dma_start3A_139 = arith.constant 0 : i32
    %dma_start3A_140 = arith.constant 0 : i32
    %dma_start3A_141 = tpu.memref_slice %arg2[%dma_start3A_139, %dma_start3A_140] : memref<1000000x16xf32, #tpu.memory_space<hbm>> -> memref<1000000x16xf32, #tpu.memory_space<hbm>>
    tpu.enqueue_indirect_dma source(%dma_start3A_141 : memref<1000000x16xf32, #tpu.memory_space<hbm>>) target(%dma_start3A_135 : memref<128x16xf32, #tpu.memory_space<vmem>>) offsets(%dma_start3A_138 : memref<128xi32, #tpu.memory_space<vmem>>) semaphore(%arg7 : memref<!tpu.dma_semaphore, #tpu.memory_space<semaphore_mem>>)
    %dma_start3A_142 = arith.constant 14 : i32
    %dma_start3A_143 = arith.constant 1792 : i32
    %dma_start3A_144 = arith.constant 0 : i32
    %dma_start3A_145 = tpu.memref_slice %arg6[%dma_start3A_143, %dma_start3A_144] : memref<3072x16xf32, #tpu.memory_space<vmem>> -> memref<128x16xf32, #tpu.memory_space<vmem>>
    %dma_start3A_146 = arith.constant 0 : i32
    %dma_start3A_147 = tpu.memref_slice %arg5[%dma_start3A_142, %dma_start3A_146] : memref<24x128xi32, #tpu.memory_space<vmem>> -> memref<1x128xi32, #tpu.memory_space<vmem>>
    %dma_start3A_148 = tpu.memref_squeeze %dma_start3A_147 : memref<1x128xi32, #tpu.memory_space<vmem>> -> memref<128xi32, #tpu.memory_space<vmem>>
    %dma_start3A_149 = arith.constant 0 : i32
    %dma_start3A_150 = arith.constant 0 : i32
    %dma_start3A_151 = tpu.memref_slice %arg2[%dma_start3A_149, %dma_start3A_150] : memref<1000000x16xf32, #tpu.memory_space<hbm>> -> memref<1000000x16xf32, #tpu.memory_space<hbm>>
    tpu.enqueue_indirect_dma source(%dma_start3A_151 : memref<1000000x16xf32, #tpu.memory_space<hbm>>) target(%dma_start3A_145 : memref<128x16xf32, #tpu.memory_space<vmem>>) offsets(%dma_start3A_148 : memref<128xi32, #tpu.memory_space<vmem>>) semaphore(%arg7 : memref<!tpu.dma_semaphore, #tpu.memory_space<semaphore_mem>>)
    %dma_start3A_152 = arith.constant 15 : i32
    %dma_start3A_153 = arith.constant 1920 : i32
    %dma_start3A_154 = arith.constant 0 : i32
    %dma_start3A_155 = tpu.memref_slice %arg6[%dma_start3A_153, %dma_start3A_154] : memref<3072x16xf32, #tpu.memory_space<vmem>> -> memref<128x16xf32, #tpu.memory_space<vmem>>
    %dma_start3A_156 = arith.constant 0 : i32
    %dma_start3A_157 = tpu.memref_slice %arg5[%dma_start3A_152, %dma_start3A_156] : memref<24x128xi32, #tpu.memory_space<vmem>> -> memref<1x128xi32, #tpu.memory_space<vmem>>
    %dma_start3A_158 = tpu.memref_squeeze %dma_start3A_157 : memref<1x128xi32, #tpu.memory_space<vmem>> -> memref<128xi32, #tpu.memory_space<vmem>>
    %dma_start3A_159 = arith.constant 0 : i32
    %dma_start3A_160 = arith.constant 0 : i32
    %dma_start3A_161 = tpu.memref_slice %arg2[%dma_start3A_159, %dma_start3A_160] : memref<1000000x16xf32, #tpu.memory_space<hbm>> -> memref<1000000x16xf32, #tpu.memory_space<hbm>>
    tpu.enqueue_indirect_dma source(%dma_start3A_161 : memref<1000000x16xf32, #tpu.memory_space<hbm>>) target(%dma_start3A_155 : memref<128x16xf32, #tpu.memory_space<vmem>>) offsets(%dma_start3A_158 : memref<128xi32, #tpu.memory_space<vmem>>) semaphore(%arg7 : memref<!tpu.dma_semaphore, #tpu.memory_space<semaphore_mem>>)
    %dma_start3A_162 = arith.constant 16 : i32
    %dma_start3A_163 = arith.constant 2048 : i32
    %dma_start3A_164 = arith.constant 0 : i32
    %dma_start3A_165 = tpu.memref_slice %arg6[%dma_start3A_163, %dma_start3A_164] : memref<3072x16xf32, #tpu.memory_space<vmem>> -> memref<128x16xf32, #tpu.memory_space<vmem>>
    %dma_start3A_166 = arith.constant 0 : i32
    %dma_start3A_167 = tpu.memref_slice %arg5[%dma_start3A_162, %dma_start3A_166] : memref<24x128xi32, #tpu.memory_space<vmem>> -> memref<1x128xi32, #tpu.memory_space<vmem>>
    %dma_start3A_168 = tpu.memref_squeeze %dma_start3A_167 : memref<1x128xi32, #tpu.memory_space<vmem>> -> memref<128xi32, #tpu.memory_space<vmem>>
    %dma_start3A_169 = arith.constant 0 : i32
    %dma_start3A_170 = arith.constant 0 : i32
    %dma_start3A_171 = tpu.memref_slice %arg2[%dma_start3A_169, %dma_start3A_170] : memref<1000000x16xf32, #tpu.memory_space<hbm>> -> memref<1000000x16xf32, #tpu.memory_space<hbm>>
    tpu.enqueue_indirect_dma source(%dma_start3A_171 : memref<1000000x16xf32, #tpu.memory_space<hbm>>) target(%dma_start3A_165 : memref<128x16xf32, #tpu.memory_space<vmem>>) offsets(%dma_start3A_168 : memref<128xi32, #tpu.memory_space<vmem>>) semaphore(%arg7 : memref<!tpu.dma_semaphore, #tpu.memory_space<semaphore_mem>>)
    %dma_start3A_172 = arith.constant 17 : i32
    %dma_start3A_173 = arith.constant 2176 : i32
    %dma_start3A_174 = arith.constant 0 : i32
    %dma_start3A_175 = tpu.memref_slice %arg6[%dma_start3A_173, %dma_start3A_174] : memref<3072x16xf32, #tpu.memory_space<vmem>> -> memref<128x16xf32, #tpu.memory_space<vmem>>
    %dma_start3A_176 = arith.constant 0 : i32
    %dma_start3A_177 = tpu.memref_slice %arg5[%dma_start3A_172, %dma_start3A_176] : memref<24x128xi32, #tpu.memory_space<vmem>> -> memref<1x128xi32, #tpu.memory_space<vmem>>
    %dma_start3A_178 = tpu.memref_squeeze %dma_start3A_177 : memref<1x128xi32, #tpu.memory_space<vmem>> -> memref<128xi32, #tpu.memory_space<vmem>>
    %dma_start3A_179 = arith.constant 0 : i32
    %dma_start3A_180 = arith.constant 0 : i32
    %dma_start3A_181 = tpu.memref_slice %arg2[%dma_start3A_179, %dma_start3A_180] : memref<1000000x16xf32, #tpu.memory_space<hbm>> -> memref<1000000x16xf32, #tpu.memory_space<hbm>>
    tpu.enqueue_indirect_dma source(%dma_start3A_181 : memref<1000000x16xf32, #tpu.memory_space<hbm>>) target(%dma_start3A_175 : memref<128x16xf32, #tpu.memory_space<vmem>>) offsets(%dma_start3A_178 : memref<128xi32, #tpu.memory_space<vmem>>) semaphore(%arg7 : memref<!tpu.dma_semaphore, #tpu.memory_space<semaphore_mem>>)
    %dma_start3A_182 = arith.constant 18 : i32
    %dma_start3A_183 = arith.constant 2304 : i32
    %dma_start3A_184 = arith.constant 0 : i32
    %dma_start3A_185 = tpu.memref_slice %arg6[%dma_start3A_183, %dma_start3A_184] : memref<3072x16xf32, #tpu.memory_space<vmem>> -> memref<128x16xf32, #tpu.memory_space<vmem>>
    %dma_start3A_186 = arith.constant 0 : i32
    %dma_start3A_187 = tpu.memref_slice %arg5[%dma_start3A_182, %dma_start3A_186] : memref<24x128xi32, #tpu.memory_space<vmem>> -> memref<1x128xi32, #tpu.memory_space<vmem>>
    %dma_start3A_188 = tpu.memref_squeeze %dma_start3A_187 : memref<1x128xi32, #tpu.memory_space<vmem>> -> memref<128xi32, #tpu.memory_space<vmem>>
    %dma_start3A_189 = arith.constant 0 : i32
    %dma_start3A_190 = arith.constant 0 : i32
    %dma_start3A_191 = tpu.memref_slice %arg2[%dma_start3A_189, %dma_start3A_190] : memref<1000000x16xf32, #tpu.memory_space<hbm>> -> memref<1000000x16xf32, #tpu.memory_space<hbm>>
    tpu.enqueue_indirect_dma source(%dma_start3A_191 : memref<1000000x16xf32, #tpu.memory_space<hbm>>) target(%dma_start3A_185 : memref<128x16xf32, #tpu.memory_space<vmem>>) offsets(%dma_start3A_188 : memref<128xi32, #tpu.memory_space<vmem>>) semaphore(%arg7 : memref<!tpu.dma_semaphore, #tpu.memory_space<semaphore_mem>>)
    %dma_start3A_192 = arith.constant 19 : i32
    %dma_start3A_193 = arith.constant 2432 : i32
    %dma_start3A_194 = arith.constant 0 : i32
    %dma_start3A_195 = tpu.memref_slice %arg6[%dma_start3A_193, %dma_start3A_194] : memref<3072x16xf32, #tpu.memory_space<vmem>> -> memref<128x16xf32, #tpu.memory_space<vmem>>
    %dma_start3A_196 = arith.constant 0 : i32
    %dma_start3A_197 = tpu.memref_slice %arg5[%dma_start3A_192, %dma_start3A_196] : memref<24x128xi32, #tpu.memory_space<vmem>> -> memref<1x128xi32, #tpu.memory_space<vmem>>
    %dma_start3A_198 = tpu.memref_squeeze %dma_start3A_197 : memref<1x128xi32, #tpu.memory_space<vmem>> -> memref<128xi32, #tpu.memory_space<vmem>>
    %dma_start3A_199 = arith.constant 0 : i32
    %dma_start3A_200 = arith.constant 0 : i32
    %dma_start3A_201 = tpu.memref_slice %arg2[%dma_start3A_199, %dma_start3A_200] : memref<1000000x16xf32, #tpu.memory_space<hbm>> -> memref<1000000x16xf32, #tpu.memory_space<hbm>>
    tpu.enqueue_indirect_dma source(%dma_start3A_201 : memref<1000000x16xf32, #tpu.memory_space<hbm>>) target(%dma_start3A_195 : memref<128x16xf32, #tpu.memory_space<vmem>>) offsets(%dma_start3A_198 : memref<128xi32, #tpu.memory_space<vmem>>) semaphore(%arg7 : memref<!tpu.dma_semaphore, #tpu.memory_space<semaphore_mem>>)
    %dma_start3A_202 = arith.constant 20 : i32
    %dma_start3A_203 = arith.constant 2560 : i32
    %dma_start3A_204 = arith.constant 0 : i32
    %dma_start3A_205 = tpu.memref_slice %arg6[%dma_start3A_203, %dma_start3A_204] : memref<3072x16xf32, #tpu.memory_space<vmem>> -> memref<128x16xf32, #tpu.memory_space<vmem>>
    %dma_start3A_206 = arith.constant 0 : i32
    %dma_start3A_207 = tpu.memref_slice %arg5[%dma_start3A_202, %dma_start3A_206] : memref<24x128xi32, #tpu.memory_space<vmem>> -> memref<1x128xi32, #tpu.memory_space<vmem>>
    %dma_start3A_208 = tpu.memref_squeeze %dma_start3A_207 : memref<1x128xi32, #tpu.memory_space<vmem>> -> memref<128xi32, #tpu.memory_space<vmem>>
    %dma_start3A_209 = arith.constant 0 : i32
    %dma_start3A_210 = arith.constant 0 : i32
    %dma_start3A_211 = tpu.memref_slice %arg2[%dma_start3A_209, %dma_start3A_210] : memref<1000000x16xf32, #tpu.memory_space<hbm>> -> memref<1000000x16xf32, #tpu.memory_space<hbm>>
    tpu.enqueue_indirect_dma source(%dma_start3A_211 : memref<1000000x16xf32, #tpu.memory_space<hbm>>) target(%dma_start3A_205 : memref<128x16xf32, #tpu.memory_space<vmem>>) offsets(%dma_start3A_208 : memref<128xi32, #tpu.memory_space<vmem>>) semaphore(%arg7 : memref<!tpu.dma_semaphore, #tpu.memory_space<semaphore_mem>>)
    %dma_start3A_212 = arith.constant 21 : i32
    %dma_start3A_213 = arith.constant 2688 : i32
    %dma_start3A_214 = arith.constant 0 : i32
    %dma_start3A_215 = tpu.memref_slice %arg6[%dma_start3A_213, %dma_start3A_214] : memref<3072x16xf32, #tpu.memory_space<vmem>> -> memref<128x16xf32, #tpu.memory_space<vmem>>
    %dma_start3A_216 = arith.constant 0 : i32
    %dma_start3A_217 = tpu.memref_slice %arg5[%dma_start3A_212, %dma_start3A_216] : memref<24x128xi32, #tpu.memory_space<vmem>> -> memref<1x128xi32, #tpu.memory_space<vmem>>
    %dma_start3A_218 = tpu.memref_squeeze %dma_start3A_217 : memref<1x128xi32, #tpu.memory_space<vmem>> -> memref<128xi32, #tpu.memory_space<vmem>>
    %dma_start3A_219 = arith.constant 0 : i32
    %dma_start3A_220 = arith.constant 0 : i32
    %dma_start3A_221 = tpu.memref_slice %arg2[%dma_start3A_219, %dma_start3A_220] : memref<1000000x16xf32, #tpu.memory_space<hbm>> -> memref<1000000x16xf32, #tpu.memory_space<hbm>>
    tpu.enqueue_indirect_dma source(%dma_start3A_221 : memref<1000000x16xf32, #tpu.memory_space<hbm>>) target(%dma_start3A_215 : memref<128x16xf32, #tpu.memory_space<vmem>>) offsets(%dma_start3A_218 : memref<128xi32, #tpu.memory_space<vmem>>) semaphore(%arg7 : memref<!tpu.dma_semaphore, #tpu.memory_space<semaphore_mem>>)
    %dma_start3A_222 = arith.constant 22 : i32
    %dma_start3A_223 = arith.constant 2816 : i32
    %dma_start3A_224 = arith.constant 0 : i32
    %dma_start3A_225 = tpu.memref_slice %arg6[%dma_start3A_223, %dma_start3A_224] : memref<3072x16xf32, #tpu.memory_space<vmem>> -> memref<128x16xf32, #tpu.memory_space<vmem>>
    %dma_start3A_226 = arith.constant 0 : i32
    %dma_start3A_227 = tpu.memref_slice %arg5[%dma_start3A_222, %dma_start3A_226] : memref<24x128xi32, #tpu.memory_space<vmem>> -> memref<1x128xi32, #tpu.memory_space<vmem>>
    %dma_start3A_228 = tpu.memref_squeeze %dma_start3A_227 : memref<1x128xi32, #tpu.memory_space<vmem>> -> memref<128xi32, #tpu.memory_space<vmem>>
    %dma_start3A_229 = arith.constant 0 : i32
    %dma_start3A_230 = arith.constant 0 : i32
    %dma_start3A_231 = tpu.memref_slice %arg2[%dma_start3A_229, %dma_start3A_230] : memref<1000000x16xf32, #tpu.memory_space<hbm>> -> memref<1000000x16xf32, #tpu.memory_space<hbm>>
    tpu.enqueue_indirect_dma source(%dma_start3A_231 : memref<1000000x16xf32, #tpu.memory_space<hbm>>) target(%dma_start3A_225 : memref<128x16xf32, #tpu.memory_space<vmem>>) offsets(%dma_start3A_228 : memref<128xi32, #tpu.memory_space<vmem>>) semaphore(%arg7 : memref<!tpu.dma_semaphore, #tpu.memory_space<semaphore_mem>>)
    %dma_start3A_232 = arith.constant 23 : i32
    %dma_start3A_233 = arith.constant 2944 : i32
    %dma_start3A_234 = arith.constant 0 : i32
    %dma_start3A_235 = tpu.memref_slice %arg6[%dma_start3A_233, %dma_start3A_234] : memref<3072x16xf32, #tpu.memory_space<vmem>> -> memref<128x16xf32, #tpu.memory_space<vmem>>
    %dma_start3A_236 = arith.constant 0 : i32
    %dma_start3A_237 = tpu.memref_slice %arg5[%dma_start3A_232, %dma_start3A_236] : memref<24x128xi32, #tpu.memory_space<vmem>> -> memref<1x128xi32, #tpu.memory_space<vmem>>
    %dma_start3A_238 = tpu.memref_squeeze %dma_start3A_237 : memref<1x128xi32, #tpu.memory_space<vmem>> -> memref<128xi32, #tpu.memory_space<vmem>>
    %dma_start3A_239 = arith.constant 0 : i32
    %dma_start3A_240 = arith.constant 0 : i32
    %dma_start3A_241 = tpu.memref_slice %arg2[%dma_start3A_239, %dma_start3A_240] : memref<1000000x16xf32, #tpu.memory_space<hbm>> -> memref<1000000x16xf32, #tpu.memory_space<hbm>>
    tpu.enqueue_indirect_dma source(%dma_start3A_241 : memref<1000000x16xf32, #tpu.memory_space<hbm>>) target(%dma_start3A_235 : memref<128x16xf32, #tpu.memory_space<vmem>>) offsets(%dma_start3A_238 : memref<128xi32, #tpu.memory_space<vmem>>) semaphore(%arg7 : memref<!tpu.dma_semaphore, #tpu.memory_space<semaphore_mem>>)
    %dma_wait3A = arith.constant 0 : i32
    %dma_wait3A_242 = arith.constant 0 : i32
    %dma_wait3A_243 = arith.constant 0 : i32
    %dma_wait3A_244 = tpu.memref_slice %arg6[%dma_wait3A_242, %dma_wait3A_243] : memref<3072x16xf32, #tpu.memory_space<vmem>> -> memref<128x16xf32, #tpu.memory_space<vmem>>
    %dma_wait3A_245 = arith.constant 0 : i32
    %dma_wait3A_246 = tpu.memref_slice %arg5[%dma_wait3A, %dma_wait3A_245] : memref<24x128xi32, #tpu.memory_space<vmem>> -> memref<1x128xi32, #tpu.memory_space<vmem>>
    %dma_wait3A_247 = tpu.memref_squeeze %dma_wait3A_246 : memref<1x128xi32, #tpu.memory_space<vmem>> -> memref<128xi32, #tpu.memory_space<vmem>>
    %dma_wait3A_248 = arith.constant 0 : i32
    %dma_wait3A_249 = arith.constant 0 : i32
    %dma_wait3A_250 = tpu.memref_slice %arg2[%dma_wait3A_248, %dma_wait3A_249] : memref<1000000x16xf32, #tpu.memory_space<hbm>> -> memref<1000000x16xf32, #tpu.memory_space<hbm>>
    tpu.wait_indirect_dma semaphore(%arg7 : memref<!tpu.dma_semaphore, #tpu.memory_space<semaphore_mem>>) src(%dma_wait3A_250 : memref<1000000x16xf32, #tpu.memory_space<hbm>>) dst(%dma_wait3A_244 : memref<128x16xf32, #tpu.memory_space<vmem>>)
    %dma_wait3A_251 = arith.constant 1 : i32
    %dma_wait3A_252 = arith.constant 128 : i32
    %dma_wait3A_253 = arith.constant 0 : i32
    %dma_wait3A_254 = tpu.memref_slice %arg6[%dma_wait3A_252, %dma_wait3A_253] : memref<3072x16xf32, #tpu.memory_space<vmem>> -> memref<128x16xf32, #tpu.memory_space<vmem>>
    %dma_wait3A_255 = arith.constant 0 : i32
    %dma_wait3A_256 = tpu.memref_slice %arg5[%dma_wait3A_251, %dma_wait3A_255] : memref<24x128xi32, #tpu.memory_space<vmem>> -> memref<1x128xi32, #tpu.memory_space<vmem>>
    %dma_wait3A_257 = tpu.memref_squeeze %dma_wait3A_256 : memref<1x128xi32, #tpu.memory_space<vmem>> -> memref<128xi32, #tpu.memory_space<vmem>>
    %dma_wait3A_258 = arith.constant 0 : i32
    %dma_wait3A_259 = arith.constant 0 : i32
    %dma_wait3A_260 = tpu.memref_slice %arg2[%dma_wait3A_258, %dma_wait3A_259] : memref<1000000x16xf32, #tpu.memory_space<hbm>> -> memref<1000000x16xf32, #tpu.memory_space<hbm>>
    tpu.wait_indirect_dma semaphore(%arg7 : memref<!tpu.dma_semaphore, #tpu.memory_space<semaphore_mem>>) src(%dma_wait3A_260 : memref<1000000x16xf32, #tpu.memory_space<hbm>>) dst(%dma_wait3A_254 : memref<128x16xf32, #tpu.memory_space<vmem>>)
    %dma_wait3A_261 = arith.constant 2 : i32
    %dma_wait3A_262 = arith.constant 256 : i32
    %dma_wait3A_263 = arith.constant 0 : i32
    %dma_wait3A_264 = tpu.memref_slice %arg6[%dma_wait3A_262, %dma_wait3A_263] : memref<3072x16xf32, #tpu.memory_space<vmem>> -> memref<128x16xf32, #tpu.memory_space<vmem>>
    %dma_wait3A_265 = arith.constant 0 : i32
    %dma_wait3A_266 = tpu.memref_slice %arg5[%dma_wait3A_261, %dma_wait3A_265] : memref<24x128xi32, #tpu.memory_space<vmem>> -> memref<1x128xi32, #tpu.memory_space<vmem>>
    %dma_wait3A_267 = tpu.memref_squeeze %dma_wait3A_266 : memref<1x128xi32, #tpu.memory_space<vmem>> -> memref<128xi32, #tpu.memory_space<vmem>>
    %dma_wait3A_268 = arith.constant 0 : i32
    %dma_wait3A_269 = arith.constant 0 : i32
    %dma_wait3A_270 = tpu.memref_slice %arg2[%dma_wait3A_268, %dma_wait3A_269] : memref<1000000x16xf32, #tpu.memory_space<hbm>> -> memref<1000000x16xf32, #tpu.memory_space<hbm>>
    tpu.wait_indirect_dma semaphore(%arg7 : memref<!tpu.dma_semaphore, #tpu.memory_space<semaphore_mem>>) src(%dma_wait3A_270 : memref<1000000x16xf32, #tpu.memory_space<hbm>>) dst(%dma_wait3A_264 : memref<128x16xf32, #tpu.memory_space<vmem>>)
    %dma_wait3A_271 = arith.constant 3 : i32
    %dma_wait3A_272 = arith.constant 384 : i32
    %dma_wait3A_273 = arith.constant 0 : i32
    %dma_wait3A_274 = tpu.memref_slice %arg6[%dma_wait3A_272, %dma_wait3A_273] : memref<3072x16xf32, #tpu.memory_space<vmem>> -> memref<128x16xf32, #tpu.memory_space<vmem>>
    %dma_wait3A_275 = arith.constant 0 : i32
    %dma_wait3A_276 = tpu.memref_slice %arg5[%dma_wait3A_271, %dma_wait3A_275] : memref<24x128xi32, #tpu.memory_space<vmem>> -> memref<1x128xi32, #tpu.memory_space<vmem>>
    %dma_wait3A_277 = tpu.memref_squeeze %dma_wait3A_276 : memref<1x128xi32, #tpu.memory_space<vmem>> -> memref<128xi32, #tpu.memory_space<vmem>>
    %dma_wait3A_278 = arith.constant 0 : i32
    %dma_wait3A_279 = arith.constant 0 : i32
    %dma_wait3A_280 = tpu.memref_slice %arg2[%dma_wait3A_278, %dma_wait3A_279] : memref<1000000x16xf32, #tpu.memory_space<hbm>> -> memref<1000000x16xf32, #tpu.memory_space<hbm>>
    tpu.wait_indirect_dma semaphore(%arg7 : memref<!tpu.dma_semaphore, #tpu.memory_space<semaphore_mem>>) src(%dma_wait3A_280 : memref<1000000x16xf32, #tpu.memory_space<hbm>>) dst(%dma_wait3A_274 : memref<128x16xf32, #tpu.memory_space<vmem>>)
    %dma_wait3A_281 = arith.constant 4 : i32
    %dma_wait3A_282 = arith.constant 512 : i32
    %dma_wait3A_283 = arith.constant 0 : i32
    %dma_wait3A_284 = tpu.memref_slice %arg6[%dma_wait3A_282, %dma_wait3A_283] : memref<3072x16xf32, #tpu.memory_space<vmem>> -> memref<128x16xf32, #tpu.memory_space<vmem>>
    %dma_wait3A_285 = arith.constant 0 : i32
    %dma_wait3A_286 = tpu.memref_slice %arg5[%dma_wait3A_281, %dma_wait3A_285] : memref<24x128xi32, #tpu.memory_space<vmem>> -> memref<1x128xi32, #tpu.memory_space<vmem>>
    %dma_wait3A_287 = tpu.memref_squeeze %dma_wait3A_286 : memref<1x128xi32, #tpu.memory_space<vmem>> -> memref<128xi32, #tpu.memory_space<vmem>>
    %dma_wait3A_288 = arith.constant 0 : i32
    %dma_wait3A_289 = arith.constant 0 : i32
    %dma_wait3A_290 = tpu.memref_slice %arg2[%dma_wait3A_288, %dma_wait3A_289] : memref<1000000x16xf32, #tpu.memory_space<hbm>> -> memref<1000000x16xf32, #tpu.memory_space<hbm>>
    tpu.wait_indirect_dma semaphore(%arg7 : memref<!tpu.dma_semaphore, #tpu.memory_space<semaphore_mem>>) src(%dma_wait3A_290 : memref<1000000x16xf32, #tpu.memory_space<hbm>>) dst(%dma_wait3A_284 : memref<128x16xf32, #tpu.memory_space<vmem>>)
    %dma_wait3A_291 = arith.constant 5 : i32
    %dma_wait3A_292 = arith.constant 640 : i32
    %dma_wait3A_293 = arith.constant 0 : i32
    %dma_wait3A_294 = tpu.memref_slice %arg6[%dma_wait3A_292, %dma_wait3A_293] : memref<3072x16xf32, #tpu.memory_space<vmem>> -> memref<128x16xf32, #tpu.memory_space<vmem>>
    %dma_wait3A_295 = arith.constant 0 : i32
    %dma_wait3A_296 = tpu.memref_slice %arg5[%dma_wait3A_291, %dma_wait3A_295] : memref<24x128xi32, #tpu.memory_space<vmem>> -> memref<1x128xi32, #tpu.memory_space<vmem>>
    %dma_wait3A_297 = tpu.memref_squeeze %dma_wait3A_296 : memref<1x128xi32, #tpu.memory_space<vmem>> -> memref<128xi32, #tpu.memory_space<vmem>>
    %dma_wait3A_298 = arith.constant 0 : i32
    %dma_wait3A_299 = arith.constant 0 : i32
    %dma_wait3A_300 = tpu.memref_slice %arg2[%dma_wait3A_298, %dma_wait3A_299] : memref<1000000x16xf32, #tpu.memory_space<hbm>> -> memref<1000000x16xf32, #tpu.memory_space<hbm>>
    tpu.wait_indirect_dma semaphore(%arg7 : memref<!tpu.dma_semaphore, #tpu.memory_space<semaphore_mem>>) src(%dma_wait3A_300 : memref<1000000x16xf32, #tpu.memory_space<hbm>>) dst(%dma_wait3A_294 : memref<128x16xf32, #tpu.memory_space<vmem>>)
    %dma_wait3A_301 = arith.constant 6 : i32
    %dma_wait3A_302 = arith.constant 768 : i32
    %dma_wait3A_303 = arith.constant 0 : i32
    %dma_wait3A_304 = tpu.memref_slice %arg6[%dma_wait3A_302, %dma_wait3A_303] : memref<3072x16xf32, #tpu.memory_space<vmem>> -> memref<128x16xf32, #tpu.memory_space<vmem>>
    %dma_wait3A_305 = arith.constant 0 : i32
    %dma_wait3A_306 = tpu.memref_slice %arg5[%dma_wait3A_301, %dma_wait3A_305] : memref<24x128xi32, #tpu.memory_space<vmem>> -> memref<1x128xi32, #tpu.memory_space<vmem>>
    %dma_wait3A_307 = tpu.memref_squeeze %dma_wait3A_306 : memref<1x128xi32, #tpu.memory_space<vmem>> -> memref<128xi32, #tpu.memory_space<vmem>>
    %dma_wait3A_308 = arith.constant 0 : i32
    %dma_wait3A_309 = arith.constant 0 : i32
    %dma_wait3A_310 = tpu.memref_slice %arg2[%dma_wait3A_308, %dma_wait3A_309] : memref<1000000x16xf32, #tpu.memory_space<hbm>> -> memref<1000000x16xf32, #tpu.memory_space<hbm>>
    tpu.wait_indirect_dma semaphore(%arg7 : memref<!tpu.dma_semaphore, #tpu.memory_space<semaphore_mem>>) src(%dma_wait3A_310 : memref<1000000x16xf32, #tpu.memory_space<hbm>>) dst(%dma_wait3A_304 : memref<128x16xf32, #tpu.memory_space<vmem>>)
    %dma_wait3A_311 = arith.constant 7 : i32
    %dma_wait3A_312 = arith.constant 896 : i32
    %dma_wait3A_313 = arith.constant 0 : i32
    %dma_wait3A_314 = tpu.memref_slice %arg6[%dma_wait3A_312, %dma_wait3A_313] : memref<3072x16xf32, #tpu.memory_space<vmem>> -> memref<128x16xf32, #tpu.memory_space<vmem>>
    %dma_wait3A_315 = arith.constant 0 : i32
    %dma_wait3A_316 = tpu.memref_slice %arg5[%dma_wait3A_311, %dma_wait3A_315] : memref<24x128xi32, #tpu.memory_space<vmem>> -> memref<1x128xi32, #tpu.memory_space<vmem>>
    %dma_wait3A_317 = tpu.memref_squeeze %dma_wait3A_316 : memref<1x128xi32, #tpu.memory_space<vmem>> -> memref<128xi32, #tpu.memory_space<vmem>>
    %dma_wait3A_318 = arith.constant 0 : i32
    %dma_wait3A_319 = arith.constant 0 : i32
    %dma_wait3A_320 = tpu.memref_slice %arg2[%dma_wait3A_318, %dma_wait3A_319] : memref<1000000x16xf32, #tpu.memory_space<hbm>> -> memref<1000000x16xf32, #tpu.memory_space<hbm>>
    tpu.wait_indirect_dma semaphore(%arg7 : memref<!tpu.dma_semaphore, #tpu.memory_space<semaphore_mem>>) src(%dma_wait3A_320 : memref<1000000x16xf32, #tpu.memory_space<hbm>>) dst(%dma_wait3A_314 : memref<128x16xf32, #tpu.memory_space<vmem>>)
    %dma_wait3A_321 = arith.constant 8 : i32
    %dma_wait3A_322 = arith.constant 1024 : i32
    %dma_wait3A_323 = arith.constant 0 : i32
    %dma_wait3A_324 = tpu.memref_slice %arg6[%dma_wait3A_322, %dma_wait3A_323] : memref<3072x16xf32, #tpu.memory_space<vmem>> -> memref<128x16xf32, #tpu.memory_space<vmem>>
    %dma_wait3A_325 = arith.constant 0 : i32
    %dma_wait3A_326 = tpu.memref_slice %arg5[%dma_wait3A_321, %dma_wait3A_325] : memref<24x128xi32, #tpu.memory_space<vmem>> -> memref<1x128xi32, #tpu.memory_space<vmem>>
    %dma_wait3A_327 = tpu.memref_squeeze %dma_wait3A_326 : memref<1x128xi32, #tpu.memory_space<vmem>> -> memref<128xi32, #tpu.memory_space<vmem>>
    %dma_wait3A_328 = arith.constant 0 : i32
    %dma_wait3A_329 = arith.constant 0 : i32
    %dma_wait3A_330 = tpu.memref_slice %arg2[%dma_wait3A_328, %dma_wait3A_329] : memref<1000000x16xf32, #tpu.memory_space<hbm>> -> memref<1000000x16xf32, #tpu.memory_space<hbm>>
    tpu.wait_indirect_dma semaphore(%arg7 : memref<!tpu.dma_semaphore, #tpu.memory_space<semaphore_mem>>) src(%dma_wait3A_330 : memref<1000000x16xf32, #tpu.memory_space<hbm>>) dst(%dma_wait3A_324 : memref<128x16xf32, #tpu.memory_space<vmem>>)
    %dma_wait3A_331 = arith.constant 9 : i32
    %dma_wait3A_332 = arith.constant 1152 : i32
    %dma_wait3A_333 = arith.constant 0 : i32
    %dma_wait3A_334 = tpu.memref_slice %arg6[%dma_wait3A_332, %dma_wait3A_333] : memref<3072x16xf32, #tpu.memory_space<vmem>> -> memref<128x16xf32, #tpu.memory_space<vmem>>
    %dma_wait3A_335 = arith.constant 0 : i32
    %dma_wait3A_336 = tpu.memref_slice %arg5[%dma_wait3A_331, %dma_wait3A_335] : memref<24x128xi32, #tpu.memory_space<vmem>> -> memref<1x128xi32, #tpu.memory_space<vmem>>
    %dma_wait3A_337 = tpu.memref_squeeze %dma_wait3A_336 : memref<1x128xi32, #tpu.memory_space<vmem>> -> memref<128xi32, #tpu.memory_space<vmem>>
    %dma_wait3A_338 = arith.constant 0 : i32
    %dma_wait3A_339 = arith.constant 0 : i32
    %dma_wait3A_340 = tpu.memref_slice %arg2[%dma_wait3A_338, %dma_wait3A_339] : memref<1000000x16xf32, #tpu.memory_space<hbm>> -> memref<1000000x16xf32, #tpu.memory_space<hbm>>
    tpu.wait_indirect_dma semaphore(%arg7 : memref<!tpu.dma_semaphore, #tpu.memory_space<semaphore_mem>>) src(%dma_wait3A_340 : memref<1000000x16xf32, #tpu.memory_space<hbm>>) dst(%dma_wait3A_334 : memref<128x16xf32, #tpu.memory_space<vmem>>)
    %dma_wait3A_341 = arith.constant 10 : i32
    %dma_wait3A_342 = arith.constant 1280 : i32
    %dma_wait3A_343 = arith.constant 0 : i32
    %dma_wait3A_344 = tpu.memref_slice %arg6[%dma_wait3A_342, %dma_wait3A_343] : memref<3072x16xf32, #tpu.memory_space<vmem>> -> memref<128x16xf32, #tpu.memory_space<vmem>>
    %dma_wait3A_345 = arith.constant 0 : i32
    %dma_wait3A_346 = tpu.memref_slice %arg5[%dma_wait3A_341, %dma_wait3A_345] : memref<24x128xi32, #tpu.memory_space<vmem>> -> memref<1x128xi32, #tpu.memory_space<vmem>>
    %dma_wait3A_347 = tpu.memref_squeeze %dma_wait3A_346 : memref<1x128xi32, #tpu.memory_space<vmem>> -> memref<128xi32, #tpu.memory_space<vmem>>
    %dma_wait3A_348 = arith.constant 0 : i32
    %dma_wait3A_349 = arith.constant 0 : i32
    %dma_wait3A_350 = tpu.memref_slice %arg2[%dma_wait3A_348, %dma_wait3A_349] : memref<1000000x16xf32, #tpu.memory_space<hbm>> -> memref<1000000x16xf32, #tpu.memory_space<hbm>>
    tpu.wait_indirect_dma semaphore(%arg7 : memref<!tpu.dma_semaphore, #tpu.memory_space<semaphore_mem>>) src(%dma_wait3A_350 : memref<1000000x16xf32, #tpu.memory_space<hbm>>) dst(%dma_wait3A_344 : memref<128x16xf32, #tpu.memory_space<vmem>>)
    %dma_wait3A_351 = arith.constant 11 : i32
    %dma_wait3A_352 = arith.constant 1408 : i32
    %dma_wait3A_353 = arith.constant 0 : i32
    %dma_wait3A_354 = tpu.memref_slice %arg6[%dma_wait3A_352, %dma_wait3A_353] : memref<3072x16xf32, #tpu.memory_space<vmem>> -> memref<128x16xf32, #tpu.memory_space<vmem>>
    %dma_wait3A_355 = arith.constant 0 : i32
    %dma_wait3A_356 = tpu.memref_slice %arg5[%dma_wait3A_351, %dma_wait3A_355] : memref<24x128xi32, #tpu.memory_space<vmem>> -> memref<1x128xi32, #tpu.memory_space<vmem>>
    %dma_wait3A_357 = tpu.memref_squeeze %dma_wait3A_356 : memref<1x128xi32, #tpu.memory_space<vmem>> -> memref<128xi32, #tpu.memory_space<vmem>>
    %dma_wait3A_358 = arith.constant 0 : i32
    %dma_wait3A_359 = arith.constant 0 : i32
    %dma_wait3A_360 = tpu.memref_slice %arg2[%dma_wait3A_358, %dma_wait3A_359] : memref<1000000x16xf32, #tpu.memory_space<hbm>> -> memref<1000000x16xf32, #tpu.memory_space<hbm>>
    tpu.wait_indirect_dma semaphore(%arg7 : memref<!tpu.dma_semaphore, #tpu.memory_space<semaphore_mem>>) src(%dma_wait3A_360 : memref<1000000x16xf32, #tpu.memory_space<hbm>>) dst(%dma_wait3A_354 : memref<128x16xf32, #tpu.memory_space<vmem>>)
    %dma_wait3A_361 = arith.constant 12 : i32
    %dma_wait3A_362 = arith.constant 1536 : i32
    %dma_wait3A_363 = arith.constant 0 : i32
    %dma_wait3A_364 = tpu.memref_slice %arg6[%dma_wait3A_362, %dma_wait3A_363] : memref<3072x16xf32, #tpu.memory_space<vmem>> -> memref<128x16xf32, #tpu.memory_space<vmem>>
    %dma_wait3A_365 = arith.constant 0 : i32
    %dma_wait3A_366 = tpu.memref_slice %arg5[%dma_wait3A_361, %dma_wait3A_365] : memref<24x128xi32, #tpu.memory_space<vmem>> -> memref<1x128xi32, #tpu.memory_space<vmem>>
    %dma_wait3A_367 = tpu.memref_squeeze %dma_wait3A_366 : memref<1x128xi32, #tpu.memory_space<vmem>> -> memref<128xi32, #tpu.memory_space<vmem>>
    %dma_wait3A_368 = arith.constant 0 : i32
    %dma_wait3A_369 = arith.constant 0 : i32
    %dma_wait3A_370 = tpu.memref_slice %arg2[%dma_wait3A_368, %dma_wait3A_369] : memref<1000000x16xf32, #tpu.memory_space<hbm>> -> memref<1000000x16xf32, #tpu.memory_space<hbm>>
    tpu.wait_indirect_dma semaphore(%arg7 : memref<!tpu.dma_semaphore, #tpu.memory_space<semaphore_mem>>) src(%dma_wait3A_370 : memref<1000000x16xf32, #tpu.memory_space<hbm>>) dst(%dma_wait3A_364 : memref<128x16xf32, #tpu.memory_space<vmem>>)
    %dma_wait3A_371 = arith.constant 13 : i32
    %dma_wait3A_372 = arith.constant 1664 : i32
    %dma_wait3A_373 = arith.constant 0 : i32
    %dma_wait3A_374 = tpu.memref_slice %arg6[%dma_wait3A_372, %dma_wait3A_373] : memref<3072x16xf32, #tpu.memory_space<vmem>> -> memref<128x16xf32, #tpu.memory_space<vmem>>
    %dma_wait3A_375 = arith.constant 0 : i32
    %dma_wait3A_376 = tpu.memref_slice %arg5[%dma_wait3A_371, %dma_wait3A_375] : memref<24x128xi32, #tpu.memory_space<vmem>> -> memref<1x128xi32, #tpu.memory_space<vmem>>
    %dma_wait3A_377 = tpu.memref_squeeze %dma_wait3A_376 : memref<1x128xi32, #tpu.memory_space<vmem>> -> memref<128xi32, #tpu.memory_space<vmem>>
    %dma_wait3A_378 = arith.constant 0 : i32
    %dma_wait3A_379 = arith.constant 0 : i32
    %dma_wait3A_380 = tpu.memref_slice %arg2[%dma_wait3A_378, %dma_wait3A_379] : memref<1000000x16xf32, #tpu.memory_space<hbm>> -> memref<1000000x16xf32, #tpu.memory_space<hbm>>
    tpu.wait_indirect_dma semaphore(%arg7 : memref<!tpu.dma_semaphore, #tpu.memory_space<semaphore_mem>>) src(%dma_wait3A_380 : memref<1000000x16xf32, #tpu.memory_space<hbm>>) dst(%dma_wait3A_374 : memref<128x16xf32, #tpu.memory_space<vmem>>)
    %dma_wait3A_381 = arith.constant 14 : i32
    %dma_wait3A_382 = arith.constant 1792 : i32
    %dma_wait3A_383 = arith.constant 0 : i32
    %dma_wait3A_384 = tpu.memref_slice %arg6[%dma_wait3A_382, %dma_wait3A_383] : memref<3072x16xf32, #tpu.memory_space<vmem>> -> memref<128x16xf32, #tpu.memory_space<vmem>>
    %dma_wait3A_385 = arith.constant 0 : i32
    %dma_wait3A_386 = tpu.memref_slice %arg5[%dma_wait3A_381, %dma_wait3A_385] : memref<24x128xi32, #tpu.memory_space<vmem>> -> memref<1x128xi32, #tpu.memory_space<vmem>>
    %dma_wait3A_387 = tpu.memref_squeeze %dma_wait3A_386 : memref<1x128xi32, #tpu.memory_space<vmem>> -> memref<128xi32, #tpu.memory_space<vmem>>
    %dma_wait3A_388 = arith.constant 0 : i32
    %dma_wait3A_389 = arith.constant 0 : i32
    %dma_wait3A_390 = tpu.memref_slice %arg2[%dma_wait3A_388, %dma_wait3A_389] : memref<1000000x16xf32, #tpu.memory_space<hbm>> -> memref<1000000x16xf32, #tpu.memory_space<hbm>>
    tpu.wait_indirect_dma semaphore(%arg7 : memref<!tpu.dma_semaphore, #tpu.memory_space<semaphore_mem>>) src(%dma_wait3A_390 : memref<1000000x16xf32, #tpu.memory_space<hbm>>) dst(%dma_wait3A_384 : memref<128x16xf32, #tpu.memory_space<vmem>>)
    %dma_wait3A_391 = arith.constant 15 : i32
    %dma_wait3A_392 = arith.constant 1920 : i32
    %dma_wait3A_393 = arith.constant 0 : i32
    %dma_wait3A_394 = tpu.memref_slice %arg6[%dma_wait3A_392, %dma_wait3A_393] : memref<3072x16xf32, #tpu.memory_space<vmem>> -> memref<128x16xf32, #tpu.memory_space<vmem>>
    %dma_wait3A_395 = arith.constant 0 : i32
    %dma_wait3A_396 = tpu.memref_slice %arg5[%dma_wait3A_391, %dma_wait3A_395] : memref<24x128xi32, #tpu.memory_space<vmem>> -> memref<1x128xi32, #tpu.memory_space<vmem>>
    %dma_wait3A_397 = tpu.memref_squeeze %dma_wait3A_396 : memref<1x128xi32, #tpu.memory_space<vmem>> -> memref<128xi32, #tpu.memory_space<vmem>>
    %dma_wait3A_398 = arith.constant 0 : i32
    %dma_wait3A_399 = arith.constant 0 : i32
    %dma_wait3A_400 = tpu.memref_slice %arg2[%dma_wait3A_398, %dma_wait3A_399] : memref<1000000x16xf32, #tpu.memory_space<hbm>> -> memref<1000000x16xf32, #tpu.memory_space<hbm>>
    tpu.wait_indirect_dma semaphore(%arg7 : memref<!tpu.dma_semaphore, #tpu.memory_space<semaphore_mem>>) src(%dma_wait3A_400 : memref<1000000x16xf32, #tpu.memory_space<hbm>>) dst(%dma_wait3A_394 : memref<128x16xf32, #tpu.memory_space<vmem>>)
    %dma_wait3A_401 = arith.constant 16 : i32
    %dma_wait3A_402 = arith.constant 2048 : i32
    %dma_wait3A_403 = arith.constant 0 : i32
    %dma_wait3A_404 = tpu.memref_slice %arg6[%dma_wait3A_402, %dma_wait3A_403] : memref<3072x16xf32, #tpu.memory_space<vmem>> -> memref<128x16xf32, #tpu.memory_space<vmem>>
    %dma_wait3A_405 = arith.constant 0 : i32
    %dma_wait3A_406 = tpu.memref_slice %arg5[%dma_wait3A_401, %dma_wait3A_405] : memref<24x128xi32, #tpu.memory_space<vmem>> -> memref<1x128xi32, #tpu.memory_space<vmem>>
    %dma_wait3A_407 = tpu.memref_squeeze %dma_wait3A_406 : memref<1x128xi32, #tpu.memory_space<vmem>> -> memref<128xi32, #tpu.memory_space<vmem>>
    %dma_wait3A_408 = arith.constant 0 : i32
    %dma_wait3A_409 = arith.constant 0 : i32
    %dma_wait3A_410 = tpu.memref_slice %arg2[%dma_wait3A_408, %dma_wait3A_409] : memref<1000000x16xf32, #tpu.memory_space<hbm>> -> memref<1000000x16xf32, #tpu.memory_space<hbm>>
    tpu.wait_indirect_dma semaphore(%arg7 : memref<!tpu.dma_semaphore, #tpu.memory_space<semaphore_mem>>) src(%dma_wait3A_410 : memref<1000000x16xf32, #tpu.memory_space<hbm>>) dst(%dma_wait3A_404 : memref<128x16xf32, #tpu.memory_space<vmem>>)
    %dma_wait3A_411 = arith.constant 17 : i32
    %dma_wait3A_412 = arith.constant 2176 : i32
    %dma_wait3A_413 = arith.constant 0 : i32
    %dma_wait3A_414 = tpu.memref_slice %arg6[%dma_wait3A_412, %dma_wait3A_413] : memref<3072x16xf32, #tpu.memory_space<vmem>> -> memref<128x16xf32, #tpu.memory_space<vmem>>
    %dma_wait3A_415 = arith.constant 0 : i32
    %dma_wait3A_416 = tpu.memref_slice %arg5[%dma_wait3A_411, %dma_wait3A_415] : memref<24x128xi32, #tpu.memory_space<vmem>> -> memref<1x128xi32, #tpu.memory_space<vmem>>
    %dma_wait3A_417 = tpu.memref_squeeze %dma_wait3A_416 : memref<1x128xi32, #tpu.memory_space<vmem>> -> memref<128xi32, #tpu.memory_space<vmem>>
    %dma_wait3A_418 = arith.constant 0 : i32
    %dma_wait3A_419 = arith.constant 0 : i32
    %dma_wait3A_420 = tpu.memref_slice %arg2[%dma_wait3A_418, %dma_wait3A_419] : memref<1000000x16xf32, #tpu.memory_space<hbm>> -> memref<1000000x16xf32, #tpu.memory_space<hbm>>
    tpu.wait_indirect_dma semaphore(%arg7 : memref<!tpu.dma_semaphore, #tpu.memory_space<semaphore_mem>>) src(%dma_wait3A_420 : memref<1000000x16xf32, #tpu.memory_space<hbm>>) dst(%dma_wait3A_414 : memref<128x16xf32, #tpu.memory_space<vmem>>)
    %dma_wait3A_421 = arith.constant 18 : i32
    %dma_wait3A_422 = arith.constant 2304 : i32
    %dma_wait3A_423 = arith.constant 0 : i32
    %dma_wait3A_424 = tpu.memref_slice %arg6[%dma_wait3A_422, %dma_wait3A_423] : memref<3072x16xf32, #tpu.memory_space<vmem>> -> memref<128x16xf32, #tpu.memory_space<vmem>>
    %dma_wait3A_425 = arith.constant 0 : i32
    %dma_wait3A_426 = tpu.memref_slice %arg5[%dma_wait3A_421, %dma_wait3A_425] : memref<24x128xi32, #tpu.memory_space<vmem>> -> memref<1x128xi32, #tpu.memory_space<vmem>>
    %dma_wait3A_427 = tpu.memref_squeeze %dma_wait3A_426 : memref<1x128xi32, #tpu.memory_space<vmem>> -> memref<128xi32, #tpu.memory_space<vmem>>
    %dma_wait3A_428 = arith.constant 0 : i32
    %dma_wait3A_429 = arith.constant 0 : i32
    %dma_wait3A_430 = tpu.memref_slice %arg2[%dma_wait3A_428, %dma_wait3A_429] : memref<1000000x16xf32, #tpu.memory_space<hbm>> -> memref<1000000x16xf32, #tpu.memory_space<hbm>>
    tpu.wait_indirect_dma semaphore(%arg7 : memref<!tpu.dma_semaphore, #tpu.memory_space<semaphore_mem>>) src(%dma_wait3A_430 : memref<1000000x16xf32, #tpu.memory_space<hbm>>) dst(%dma_wait3A_424 : memref<128x16xf32, #tpu.memory_space<vmem>>)
    %dma_wait3A_431 = arith.constant 19 : i32
    %dma_wait3A_432 = arith.constant 2432 : i32
    %dma_wait3A_433 = arith.constant 0 : i32
    %dma_wait3A_434 = tpu.memref_slice %arg6[%dma_wait3A_432, %dma_wait3A_433] : memref<3072x16xf32, #tpu.memory_space<vmem>> -> memref<128x16xf32, #tpu.memory_space<vmem>>
    %dma_wait3A_435 = arith.constant 0 : i32
    %dma_wait3A_436 = tpu.memref_slice %arg5[%dma_wait3A_431, %dma_wait3A_435] : memref<24x128xi32, #tpu.memory_space<vmem>> -> memref<1x128xi32, #tpu.memory_space<vmem>>
    %dma_wait3A_437 = tpu.memref_squeeze %dma_wait3A_436 : memref<1x128xi32, #tpu.memory_space<vmem>> -> memref<128xi32, #tpu.memory_space<vmem>>
    %dma_wait3A_438 = arith.constant 0 : i32
    %dma_wait3A_439 = arith.constant 0 : i32
    %dma_wait3A_440 = tpu.memref_slice %arg2[%dma_wait3A_438, %dma_wait3A_439] : memref<1000000x16xf32, #tpu.memory_space<hbm>> -> memref<1000000x16xf32, #tpu.memory_space<hbm>>
    tpu.wait_indirect_dma semaphore(%arg7 : memref<!tpu.dma_semaphore, #tpu.memory_space<semaphore_mem>>) src(%dma_wait3A_440 : memref<1000000x16xf32, #tpu.memory_space<hbm>>) dst(%dma_wait3A_434 : memref<128x16xf32, #tpu.memory_space<vmem>>)
    %dma_wait3A_441 = arith.constant 20 : i32
    %dma_wait3A_442 = arith.constant 2560 : i32
    %dma_wait3A_443 = arith.constant 0 : i32
    %dma_wait3A_444 = tpu.memref_slice %arg6[%dma_wait3A_442, %dma_wait3A_443] : memref<3072x16xf32, #tpu.memory_space<vmem>> -> memref<128x16xf32, #tpu.memory_space<vmem>>
    %dma_wait3A_445 = arith.constant 0 : i32
    %dma_wait3A_446 = tpu.memref_slice %arg5[%dma_wait3A_441, %dma_wait3A_445] : memref<24x128xi32, #tpu.memory_space<vmem>> -> memref<1x128xi32, #tpu.memory_space<vmem>>
    %dma_wait3A_447 = tpu.memref_squeeze %dma_wait3A_446 : memref<1x128xi32, #tpu.memory_space<vmem>> -> memref<128xi32, #tpu.memory_space<vmem>>
    %dma_wait3A_448 = arith.constant 0 : i32
    %dma_wait3A_449 = arith.constant 0 : i32
    %dma_wait3A_450 = tpu.memref_slice %arg2[%dma_wait3A_448, %dma_wait3A_449] : memref<1000000x16xf32, #tpu.memory_space<hbm>> -> memref<1000000x16xf32, #tpu.memory_space<hbm>>
    tpu.wait_indirect_dma semaphore(%arg7 : memref<!tpu.dma_semaphore, #tpu.memory_space<semaphore_mem>>) src(%dma_wait3A_450 : memref<1000000x16xf32, #tpu.memory_space<hbm>>) dst(%dma_wait3A_444 : memref<128x16xf32, #tpu.memory_space<vmem>>)
    %dma_wait3A_451 = arith.constant 21 : i32
    %dma_wait3A_452 = arith.constant 2688 : i32
    %dma_wait3A_453 = arith.constant 0 : i32
    %dma_wait3A_454 = tpu.memref_slice %arg6[%dma_wait3A_452, %dma_wait3A_453] : memref<3072x16xf32, #tpu.memory_space<vmem>> -> memref<128x16xf32, #tpu.memory_space<vmem>>
    %dma_wait3A_455 = arith.constant 0 : i32
    %dma_wait3A_456 = tpu.memref_slice %arg5[%dma_wait3A_451, %dma_wait3A_455] : memref<24x128xi32, #tpu.memory_space<vmem>> -> memref<1x128xi32, #tpu.memory_space<vmem>>
    %dma_wait3A_457 = tpu.memref_squeeze %dma_wait3A_456 : memref<1x128xi32, #tpu.memory_space<vmem>> -> memref<128xi32, #tpu.memory_space<vmem>>
    %dma_wait3A_458 = arith.constant 0 : i32
    %dma_wait3A_459 = arith.constant 0 : i32
    %dma_wait3A_460 = tpu.memref_slice %arg2[%dma_wait3A_458, %dma_wait3A_459] : memref<1000000x16xf32, #tpu.memory_space<hbm>> -> memref<1000000x16xf32, #tpu.memory_space<hbm>>
    tpu.wait_indirect_dma semaphore(%arg7 : memref<!tpu.dma_semaphore, #tpu.memory_space<semaphore_mem>>) src(%dma_wait3A_460 : memref<1000000x16xf32, #tpu.memory_space<hbm>>) dst(%dma_wait3A_454 : memref<128x16xf32, #tpu.memory_space<vmem>>)
    %dma_wait3A_461 = arith.constant 22 : i32
    %dma_wait3A_462 = arith.constant 2816 : i32
    %dma_wait3A_463 = arith.constant 0 : i32
    %dma_wait3A_464 = tpu.memref_slice %arg6[%dma_wait3A_462, %dma_wait3A_463] : memref<3072x16xf32, #tpu.memory_space<vmem>> -> memref<128x16xf32, #tpu.memory_space<vmem>>
    %dma_wait3A_465 = arith.constant 0 : i32
    %dma_wait3A_466 = tpu.memref_slice %arg5[%dma_wait3A_461, %dma_wait3A_465] : memref<24x128xi32, #tpu.memory_space<vmem>> -> memref<1x128xi32, #tpu.memory_space<vmem>>
    %dma_wait3A_467 = tpu.memref_squeeze %dma_wait3A_466 : memref<1x128xi32, #tpu.memory_space<vmem>> -> memref<128xi32, #tpu.memory_space<vmem>>
    %dma_wait3A_468 = arith.constant 0 : i32
    %dma_wait3A_469 = arith.constant 0 : i32
    %dma_wait3A_470 = tpu.memref_slice %arg2[%dma_wait3A_468, %dma_wait3A_469] : memref<1000000x16xf32, #tpu.memory_space<hbm>> -> memref<1000000x16xf32, #tpu.memory_space<hbm>>
    tpu.wait_indirect_dma semaphore(%arg7 : memref<!tpu.dma_semaphore, #tpu.memory_space<semaphore_mem>>) src(%dma_wait3A_470 : memref<1000000x16xf32, #tpu.memory_space<hbm>>) dst(%dma_wait3A_464 : memref<128x16xf32, #tpu.memory_space<vmem>>)
    %dma_wait3A_471 = arith.constant 23 : i32
    %dma_wait3A_472 = arith.constant 2944 : i32
    %dma_wait3A_473 = arith.constant 0 : i32
    %dma_wait3A_474 = tpu.memref_slice %arg6[%dma_wait3A_472, %dma_wait3A_473] : memref<3072x16xf32, #tpu.memory_space<vmem>> -> memref<128x16xf32, #tpu.memory_space<vmem>>
    %dma_wait3A_475 = arith.constant 0 : i32
    %dma_wait3A_476 = tpu.memref_slice %arg5[%dma_wait3A_471, %dma_wait3A_475] : memref<24x128xi32, #tpu.memory_space<vmem>> -> memref<1x128xi32, #tpu.memory_space<vmem>>
    %dma_wait3A_477 = tpu.memref_squeeze %dma_wait3A_476 : memref<1x128xi32, #tpu.memory_space<vmem>> -> memref<128xi32, #tpu.memory_space<vmem>>
    %dma_wait3A_478 = arith.constant 0 : i32
    %dma_wait3A_479 = arith.constant 0 : i32
    %dma_wait3A_480 = tpu.memref_slice %arg2[%dma_wait3A_478, %dma_wait3A_479] : memref<1000000x16xf32, #tpu.memory_space<hbm>> -> memref<1000000x16xf32, #tpu.memory_space<hbm>>
    tpu.wait_indirect_dma semaphore(%arg7 : memref<!tpu.dma_semaphore, #tpu.memory_space<semaphore_mem>>) src(%dma_wait3A_480 : memref<1000000x16xf32, #tpu.memory_space<hbm>>) dst(%dma_wait3A_474 : memref<128x16xf32, #tpu.memory_space<vmem>>)
    %mul3A_481 = arith.constant 3072 : i32
    %mul3A_482 = arith.muli %add3A, %mul3A_481 : i32
    "tpu.region"() ({
      %run_scoped3A = tpu.sem_alloc : memref<!tpu.dma_semaphore, #tpu.memory_space<semaphore_mem>>
      %dma_start3A_483 = arith.constant 0 : i32
      %dma_start3A_484 = tpu.memref_slice %arg4[%mul3A_482, %dma_start3A_483] : memref<98304x16xf32, #tpu.memory_space<hbm>> -> memref<3072x16xf32, #tpu.memory_space<hbm>>
      %dma_start3A_485 = arith.constant 0 : i32
      %dma_start3A_486 = tpu.memref_slice %arg4[%mul3A_482, %dma_start3A_485] : memref<98304x16xf32, #tpu.memory_space<hbm>> -> memref<3072x16xf32, #tpu.memory_space<hbm>>
      tpu.enqueue_dma source(%arg6 : memref<3072x16xf32, #tpu.memory_space<vmem>>) target(%dma_start3A_486 : memref<3072x16xf32, #tpu.memory_space<hbm>>) target_semaphore(%run_scoped3A : memref<!tpu.dma_semaphore, #tpu.memory_space<semaphore_mem>>)
      %dma_wait3A_487 = arith.constant 0 : i32
      %dma_wait3A_488 = tpu.memref_slice %arg4[%mul3A_482, %dma_wait3A_487] : memref<98304x16xf32, #tpu.memory_space<hbm>> -> memref<3072x16xf32, #tpu.memory_space<hbm>>
      %dma_wait3A_489 = arith.constant 0 : i32
      %dma_wait3A_490 = tpu.memref_slice %arg4[%mul3A_482, %dma_wait3A_489] : memref<98304x16xf32, #tpu.memory_space<hbm>> -> memref<3072x16xf32, #tpu.memory_space<hbm>>
      tpu.wait_dma2 semaphore(%run_scoped3A : memref<!tpu.dma_semaphore, #tpu.memory_space<semaphore_mem>>) src(%arg6 : memref<3072x16xf32, #tpu.memory_space<vmem>>) dst(%dma_wait3A_490 : memref<3072x16xf32, #tpu.memory_space<hbm>>)
      tpu.yield
    }) : () -> ()
    return
  }
}

#map = affine_map<(d0, d1) -> (0, 0)>
module attributes {stable_mosaic.version = 14 : i64} {
  func.func @k(%arg0: i32, %arg1: i32, %arg2: memref<1000000x16xf32, #tpu.memory_space<hbm>>, %arg3: memref<128x128xi32, #tpu.memory_space<hbm>>, %arg4: memref<16384x16xf32, #tpu.memory_space<hbm>>, %arg5: memref<4x128xi32, #tpu.memory_space<vmem>>, %arg6: memref<512x16xf32, #tpu.memory_space<vmem>>, %arg7: memref<!tpu.dma_semaphore, #tpu.memory_space<semaphore_mem>>) attributes {dimension_semantics = [#tpu.dimension_semantics<core_parallel>, #tpu.dimension_semantics<subcore_parallel>], iteration_bounds = array<i64: 2, 16>, scalar_prefetch = 0 : i64, scratch_operands = 3 : i64, tpu.core_type = #tpu.core_type<sc_vector_subcore>, window_params = [{transform_indices = #map}, {transform_indices = #map}, {transform_indices = #map}]} {
    %mul3A = arith.constant 2 : i32
    %mul3A_0 = arith.muli %arg1, %mul3A : i32
    %add3A = arith.addi %mul3A_0, %arg0 : i32
    %mul3A_1 = arith.constant 4 : i32
    %mul3A_2 = arith.muli %add3A, %mul3A_1 : i32
    "tpu.region"() ({
      %run_scoped3A = tpu.sem_alloc : memref<!tpu.dma_semaphore, #tpu.memory_space<semaphore_mem>>
      %dma_start3A_83 = arith.constant 0 : i32
      %dma_start3A_84 = tpu.memref_slice %arg3[%mul3A_2, %dma_start3A_83] : memref<128x128xi32, #tpu.memory_space<hbm>> -> memref<4x128xi32, #tpu.memory_space<hbm>>
      %dma_start3A_85 = arith.constant 0 : i32
      %dma_start3A_86 = tpu.memref_slice %arg3[%mul3A_2, %dma_start3A_85] : memref<128x128xi32, #tpu.memory_space<hbm>> -> memref<4x128xi32, #tpu.memory_space<hbm>>
      tpu.enqueue_dma source(%dma_start3A_86 : memref<4x128xi32, #tpu.memory_space<hbm>>) target(%arg5 : memref<4x128xi32, #tpu.memory_space<vmem>>) target_semaphore(%run_scoped3A : memref<!tpu.dma_semaphore, #tpu.memory_space<semaphore_mem>>)
      %dma_wait3A_87 = arith.constant 0 : i32
      %dma_wait3A_88 = tpu.memref_slice %arg3[%mul3A_2, %dma_wait3A_87] : memref<128x128xi32, #tpu.memory_space<hbm>> -> memref<4x128xi32, #tpu.memory_space<hbm>>
      %dma_wait3A_89 = arith.constant 0 : i32
      %dma_wait3A_90 = tpu.memref_slice %arg3[%mul3A_2, %dma_wait3A_89] : memref<128x128xi32, #tpu.memory_space<hbm>> -> memref<4x128xi32, #tpu.memory_space<hbm>>
      tpu.wait_dma2 semaphore(%run_scoped3A : memref<!tpu.dma_semaphore, #tpu.memory_space<semaphore_mem>>) src(%dma_wait3A_90 : memref<4x128xi32, #tpu.memory_space<hbm>>) dst(%arg5 : memref<4x128xi32, #tpu.memory_space<vmem>>)
      tpu.yield
    }) : () -> ()
    %dma_start3A = arith.constant 0 : i32
    %dma_start3A_3 = arith.constant 0 : i32
    %dma_start3A_4 = arith.constant 0 : i32
    %dma_start3A_5 = tpu.memref_slice %arg6[%dma_start3A_3, %dma_start3A_4] : memref<512x16xf32, #tpu.memory_space<vmem>> -> memref<128x16xf32, #tpu.memory_space<vmem>>
    %dma_start3A_6 = arith.constant 0 : i32
    %dma_start3A_7 = tpu.memref_slice %arg5[%dma_start3A, %dma_start3A_6] : memref<4x128xi32, #tpu.memory_space<vmem>> -> memref<1x128xi32, #tpu.memory_space<vmem>>
    %dma_start3A_8 = tpu.memref_squeeze %dma_start3A_7 : memref<1x128xi32, #tpu.memory_space<vmem>> -> memref<128xi32, #tpu.memory_space<vmem>>
    %dma_start3A_9 = arith.constant 0 : i32
    %dma_start3A_10 = arith.constant 0 : i32
    %dma_start3A_11 = tpu.memref_slice %arg2[%dma_start3A_9, %dma_start3A_10] : memref<1000000x16xf32, #tpu.memory_space<hbm>> -> memref<1000000x16xf32, #tpu.memory_space<hbm>>
    tpu.enqueue_indirect_dma source(%dma_start3A_11 : memref<1000000x16xf32, #tpu.memory_space<hbm>>) target(%dma_start3A_5 : memref<128x16xf32, #tpu.memory_space<vmem>>) offsets(%dma_start3A_8 : memref<128xi32, #tpu.memory_space<vmem>>) semaphore(%arg7 : memref<!tpu.dma_semaphore, #tpu.memory_space<semaphore_mem>>)
    %dma_start3A_12 = arith.constant 1 : i32
    %dma_start3A_13 = arith.constant 128 : i32
    %dma_start3A_14 = arith.constant 0 : i32
    %dma_start3A_15 = tpu.memref_slice %arg6[%dma_start3A_13, %dma_start3A_14] : memref<512x16xf32, #tpu.memory_space<vmem>> -> memref<128x16xf32, #tpu.memory_space<vmem>>
    %dma_start3A_16 = arith.constant 0 : i32
    %dma_start3A_17 = tpu.memref_slice %arg5[%dma_start3A_12, %dma_start3A_16] : memref<4x128xi32, #tpu.memory_space<vmem>> -> memref<1x128xi32, #tpu.memory_space<vmem>>
    %dma_start3A_18 = tpu.memref_squeeze %dma_start3A_17 : memref<1x128xi32, #tpu.memory_space<vmem>> -> memref<128xi32, #tpu.memory_space<vmem>>
    %dma_start3A_19 = arith.constant 0 : i32
    %dma_start3A_20 = arith.constant 0 : i32
    %dma_start3A_21 = tpu.memref_slice %arg2[%dma_start3A_19, %dma_start3A_20] : memref<1000000x16xf32, #tpu.memory_space<hbm>> -> memref<1000000x16xf32, #tpu.memory_space<hbm>>
    tpu.enqueue_indirect_dma source(%dma_start3A_21 : memref<1000000x16xf32, #tpu.memory_space<hbm>>) target(%dma_start3A_15 : memref<128x16xf32, #tpu.memory_space<vmem>>) offsets(%dma_start3A_18 : memref<128xi32, #tpu.memory_space<vmem>>) semaphore(%arg7 : memref<!tpu.dma_semaphore, #tpu.memory_space<semaphore_mem>>)
    %dma_start3A_22 = arith.constant 2 : i32
    %dma_start3A_23 = arith.constant 256 : i32
    %dma_start3A_24 = arith.constant 0 : i32
    %dma_start3A_25 = tpu.memref_slice %arg6[%dma_start3A_23, %dma_start3A_24] : memref<512x16xf32, #tpu.memory_space<vmem>> -> memref<128x16xf32, #tpu.memory_space<vmem>>
    %dma_start3A_26 = arith.constant 0 : i32
    %dma_start3A_27 = tpu.memref_slice %arg5[%dma_start3A_22, %dma_start3A_26] : memref<4x128xi32, #tpu.memory_space<vmem>> -> memref<1x128xi32, #tpu.memory_space<vmem>>
    %dma_start3A_28 = tpu.memref_squeeze %dma_start3A_27 : memref<1x128xi32, #tpu.memory_space<vmem>> -> memref<128xi32, #tpu.memory_space<vmem>>
    %dma_start3A_29 = arith.constant 0 : i32
    %dma_start3A_30 = arith.constant 0 : i32
    %dma_start3A_31 = tpu.memref_slice %arg2[%dma_start3A_29, %dma_start3A_30] : memref<1000000x16xf32, #tpu.memory_space<hbm>> -> memref<1000000x16xf32, #tpu.memory_space<hbm>>
    tpu.enqueue_indirect_dma source(%dma_start3A_31 : memref<1000000x16xf32, #tpu.memory_space<hbm>>) target(%dma_start3A_25 : memref<128x16xf32, #tpu.memory_space<vmem>>) offsets(%dma_start3A_28 : memref<128xi32, #tpu.memory_space<vmem>>) semaphore(%arg7 : memref<!tpu.dma_semaphore, #tpu.memory_space<semaphore_mem>>)
    %dma_start3A_32 = arith.constant 3 : i32
    %dma_start3A_33 = arith.constant 384 : i32
    %dma_start3A_34 = arith.constant 0 : i32
    %dma_start3A_35 = tpu.memref_slice %arg6[%dma_start3A_33, %dma_start3A_34] : memref<512x16xf32, #tpu.memory_space<vmem>> -> memref<128x16xf32, #tpu.memory_space<vmem>>
    %dma_start3A_36 = arith.constant 0 : i32
    %dma_start3A_37 = tpu.memref_slice %arg5[%dma_start3A_32, %dma_start3A_36] : memref<4x128xi32, #tpu.memory_space<vmem>> -> memref<1x128xi32, #tpu.memory_space<vmem>>
    %dma_start3A_38 = tpu.memref_squeeze %dma_start3A_37 : memref<1x128xi32, #tpu.memory_space<vmem>> -> memref<128xi32, #tpu.memory_space<vmem>>
    %dma_start3A_39 = arith.constant 0 : i32
    %dma_start3A_40 = arith.constant 0 : i32
    %dma_start3A_41 = tpu.memref_slice %arg2[%dma_start3A_39, %dma_start3A_40] : memref<1000000x16xf32, #tpu.memory_space<hbm>> -> memref<1000000x16xf32, #tpu.memory_space<hbm>>
    tpu.enqueue_indirect_dma source(%dma_start3A_41 : memref<1000000x16xf32, #tpu.memory_space<hbm>>) target(%dma_start3A_35 : memref<128x16xf32, #tpu.memory_space<vmem>>) offsets(%dma_start3A_38 : memref<128xi32, #tpu.memory_space<vmem>>) semaphore(%arg7 : memref<!tpu.dma_semaphore, #tpu.memory_space<semaphore_mem>>)
    %dma_wait3A = arith.constant 0 : i32
    %dma_wait3A_42 = arith.constant 0 : i32
    %dma_wait3A_43 = arith.constant 0 : i32
    %dma_wait3A_44 = tpu.memref_slice %arg6[%dma_wait3A_42, %dma_wait3A_43] : memref<512x16xf32, #tpu.memory_space<vmem>> -> memref<128x16xf32, #tpu.memory_space<vmem>>
    %dma_wait3A_45 = arith.constant 0 : i32
    %dma_wait3A_46 = tpu.memref_slice %arg5[%dma_wait3A, %dma_wait3A_45] : memref<4x128xi32, #tpu.memory_space<vmem>> -> memref<1x128xi32, #tpu.memory_space<vmem>>
    %dma_wait3A_47 = tpu.memref_squeeze %dma_wait3A_46 : memref<1x128xi32, #tpu.memory_space<vmem>> -> memref<128xi32, #tpu.memory_space<vmem>>
    %dma_wait3A_48 = arith.constant 0 : i32
    %dma_wait3A_49 = arith.constant 0 : i32
    %dma_wait3A_50 = tpu.memref_slice %arg2[%dma_wait3A_48, %dma_wait3A_49] : memref<1000000x16xf32, #tpu.memory_space<hbm>> -> memref<1000000x16xf32, #tpu.memory_space<hbm>>
    tpu.wait_indirect_dma semaphore(%arg7 : memref<!tpu.dma_semaphore, #tpu.memory_space<semaphore_mem>>) src(%dma_wait3A_50 : memref<1000000x16xf32, #tpu.memory_space<hbm>>) dst(%dma_wait3A_44 : memref<128x16xf32, #tpu.memory_space<vmem>>)
    %dma_wait3A_51 = arith.constant 1 : i32
    %dma_wait3A_52 = arith.constant 128 : i32
    %dma_wait3A_53 = arith.constant 0 : i32
    %dma_wait3A_54 = tpu.memref_slice %arg6[%dma_wait3A_52, %dma_wait3A_53] : memref<512x16xf32, #tpu.memory_space<vmem>> -> memref<128x16xf32, #tpu.memory_space<vmem>>
    %dma_wait3A_55 = arith.constant 0 : i32
    %dma_wait3A_56 = tpu.memref_slice %arg5[%dma_wait3A_51, %dma_wait3A_55] : memref<4x128xi32, #tpu.memory_space<vmem>> -> memref<1x128xi32, #tpu.memory_space<vmem>>
    %dma_wait3A_57 = tpu.memref_squeeze %dma_wait3A_56 : memref<1x128xi32, #tpu.memory_space<vmem>> -> memref<128xi32, #tpu.memory_space<vmem>>
    %dma_wait3A_58 = arith.constant 0 : i32
    %dma_wait3A_59 = arith.constant 0 : i32
    %dma_wait3A_60 = tpu.memref_slice %arg2[%dma_wait3A_58, %dma_wait3A_59] : memref<1000000x16xf32, #tpu.memory_space<hbm>> -> memref<1000000x16xf32, #tpu.memory_space<hbm>>
    tpu.wait_indirect_dma semaphore(%arg7 : memref<!tpu.dma_semaphore, #tpu.memory_space<semaphore_mem>>) src(%dma_wait3A_60 : memref<1000000x16xf32, #tpu.memory_space<hbm>>) dst(%dma_wait3A_54 : memref<128x16xf32, #tpu.memory_space<vmem>>)
    %dma_wait3A_61 = arith.constant 2 : i32
    %dma_wait3A_62 = arith.constant 256 : i32
    %dma_wait3A_63 = arith.constant 0 : i32
    %dma_wait3A_64 = tpu.memref_slice %arg6[%dma_wait3A_62, %dma_wait3A_63] : memref<512x16xf32, #tpu.memory_space<vmem>> -> memref<128x16xf32, #tpu.memory_space<vmem>>
    %dma_wait3A_65 = arith.constant 0 : i32
    %dma_wait3A_66 = tpu.memref_slice %arg5[%dma_wait3A_61, %dma_wait3A_65] : memref<4x128xi32, #tpu.memory_space<vmem>> -> memref<1x128xi32, #tpu.memory_space<vmem>>
    %dma_wait3A_67 = tpu.memref_squeeze %dma_wait3A_66 : memref<1x128xi32, #tpu.memory_space<vmem>> -> memref<128xi32, #tpu.memory_space<vmem>>
    %dma_wait3A_68 = arith.constant 0 : i32
    %dma_wait3A_69 = arith.constant 0 : i32
    %dma_wait3A_70 = tpu.memref_slice %arg2[%dma_wait3A_68, %dma_wait3A_69] : memref<1000000x16xf32, #tpu.memory_space<hbm>> -> memref<1000000x16xf32, #tpu.memory_space<hbm>>
    tpu.wait_indirect_dma semaphore(%arg7 : memref<!tpu.dma_semaphore, #tpu.memory_space<semaphore_mem>>) src(%dma_wait3A_70 : memref<1000000x16xf32, #tpu.memory_space<hbm>>) dst(%dma_wait3A_64 : memref<128x16xf32, #tpu.memory_space<vmem>>)
    %dma_wait3A_71 = arith.constant 3 : i32
    %dma_wait3A_72 = arith.constant 384 : i32
    %dma_wait3A_73 = arith.constant 0 : i32
    %dma_wait3A_74 = tpu.memref_slice %arg6[%dma_wait3A_72, %dma_wait3A_73] : memref<512x16xf32, #tpu.memory_space<vmem>> -> memref<128x16xf32, #tpu.memory_space<vmem>>
    %dma_wait3A_75 = arith.constant 0 : i32
    %dma_wait3A_76 = tpu.memref_slice %arg5[%dma_wait3A_71, %dma_wait3A_75] : memref<4x128xi32, #tpu.memory_space<vmem>> -> memref<1x128xi32, #tpu.memory_space<vmem>>
    %dma_wait3A_77 = tpu.memref_squeeze %dma_wait3A_76 : memref<1x128xi32, #tpu.memory_space<vmem>> -> memref<128xi32, #tpu.memory_space<vmem>>
    %dma_wait3A_78 = arith.constant 0 : i32
    %dma_wait3A_79 = arith.constant 0 : i32
    %dma_wait3A_80 = tpu.memref_slice %arg2[%dma_wait3A_78, %dma_wait3A_79] : memref<1000000x16xf32, #tpu.memory_space<hbm>> -> memref<1000000x16xf32, #tpu.memory_space<hbm>>
    tpu.wait_indirect_dma semaphore(%arg7 : memref<!tpu.dma_semaphore, #tpu.memory_space<semaphore_mem>>) src(%dma_wait3A_80 : memref<1000000x16xf32, #tpu.memory_space<hbm>>) dst(%dma_wait3A_74 : memref<128x16xf32, #tpu.memory_space<vmem>>)
    %mul3A_81 = arith.constant 512 : i32
    %mul3A_82 = arith.muli %add3A, %mul3A_81 : i32
    "tpu.region"() ({
      %run_scoped3A = tpu.sem_alloc : memref<!tpu.dma_semaphore, #tpu.memory_space<semaphore_mem>>
      %dma_start3A_83 = arith.constant 0 : i32
      %dma_start3A_84 = tpu.memref_slice %arg4[%mul3A_82, %dma_start3A_83] : memref<16384x16xf32, #tpu.memory_space<hbm>> -> memref<512x16xf32, #tpu.memory_space<hbm>>
      %dma_start3A_85 = arith.constant 0 : i32
      %dma_start3A_86 = tpu.memref_slice %arg4[%mul3A_82, %dma_start3A_85] : memref<16384x16xf32, #tpu.memory_space<hbm>> -> memref<512x16xf32, #tpu.memory_space<hbm>>
      tpu.enqueue_dma source(%arg6 : memref<512x16xf32, #tpu.memory_space<vmem>>) target(%dma_start3A_86 : memref<512x16xf32, #tpu.memory_space<hbm>>) target_semaphore(%run_scoped3A : memref<!tpu.dma_semaphore, #tpu.memory_space<semaphore_mem>>)
      %dma_wait3A_87 = arith.constant 0 : i32
      %dma_wait3A_88 = tpu.memref_slice %arg4[%mul3A_82, %dma_wait3A_87] : memref<16384x16xf32, #tpu.memory_space<hbm>> -> memref<512x16xf32, #tpu.memory_space<hbm>>
      %dma_wait3A_89 = arith.constant 0 : i32
      %dma_wait3A_90 = tpu.memref_slice %arg4[%mul3A_82, %dma_wait3A_89] : memref<16384x16xf32, #tpu.memory_space<hbm>> -> memref<512x16xf32, #tpu.memory_space<hbm>>
      tpu.wait_dma2 semaphore(%run_scoped3A : memref<!tpu.dma_semaphore, #tpu.memory_space<semaphore_mem>>) src(%arg6 : memref<512x16xf32, #tpu.memory_space<vmem>>) dst(%dma_wait3A_90 : memref<512x16xf32, #tpu.memory_space<hbm>>)
      tpu.yield
    }) : () -> ()
    return
  }
}

module attributes {stable_mosaic.version = 14 : i64} {
  func.func @body(%arg0: i32, %arg1: memref<128x8x16xf32, #tpu.memory_space<vmem>>, %arg2: memref<128x8x16xf32, #tpu.memory_space<vmem>>, %arg3: memref<128x8x16xf32, #tpu.memory_space<vmem>>, %arg4: memref<128x8x16xf32, #tpu.memory_space<vmem>>, %arg5: memref<128x8x16xf32, #tpu.memory_space<vmem>>, %arg6: memref<128x8x16xf32, #tpu.memory_space<vmem>>, %arg7: memref<128x8x16xf32, #tpu.memory_space<vmem>>, %arg8: memref<1x128xf32, #tpu.memory_space<vmem>>, %arg9: memref<1x128xf32, #tpu.memory_space<vmem>>, %arg10: memref<1x128xf32, #tpu.memory_space<vmem>>, %arg11: memref<1x128xf32, #tpu.memory_space<vmem>>, %arg12: memref<1x128xf32, #tpu.memory_space<vmem>>) attributes {dimension_semantics = [#tpu.dimension_semantics<arbitrary>], iteration_bounds = array<i64: 16>, scalar_prefetch = 0 : i64, scratch_operands = 4 : i64, tpu.core_type = #tpu.core_type<tc>, window_params = [{transform_indices = @transform_0, window_bounds = array<i64: 128, 8, 16>}, {transform_indices = @transform_1, window_bounds = array<i64: 128, 8, 16>}, {transform_indices = @transform_2, window_bounds = array<i64: 128, 8, 16>}, {transform_indices = @transform_3, window_bounds = array<i64: 128, 8, 16>}, {transform_indices = @transform_4, window_bounds = array<i64: 128, 8, 16>}, {transform_indices = @transform_5, window_bounds = array<i64: 128, 8, 16>}, {transform_indices = @transform_6, window_bounds = array<i64: 128, 8, 16>}, {pipeline_mode = #tpu.pipeline_mode<synchronous>, transform_indices = @transform_7, window_bounds = array<i64: 1, 128>}]} {
    %get3A = arith.constant 0 : index
    %get3A_0 = arith.constant 0 : index
    %get3A_1 = arith.constant 0 : index
    %get3A_2 = vector.load %arg1[%get3A, %get3A_0, %get3A_1] : memref<128x8x16xf32, #tpu.memory_space<vmem>>, vector<128x8x16xf32>
    %reshape3A = vector.shape_cast %get3A_2 : vector<128x8x16xf32> to vector<1024x16xf32>
    %get3A_3 = arith.constant 0 : index
    %get3A_4 = arith.constant 0 : index
    %get3A_5 = arith.constant 0 : index
    %get3A_6 = vector.load %arg2[%get3A_3, %get3A_4, %get3A_5] : memref<128x8x16xf32, #tpu.memory_space<vmem>>, vector<128x8x16xf32>
    %reshape3A_7 = vector.shape_cast %get3A_6 : vector<128x8x16xf32> to vector<1024x16xf32>
    %mul3A = arith.mulf %reshape3A, %reshape3A_7 : vector<1024x16xf32>
    %reduce_sum3A = arith.constant dense<0.000000e+00> : vector<1024xf32>
    %reduce_sum3A_8 = vector.multi_reduction <add>, %mul3A, %reduce_sum3A [1] : vector<1024x16xf32> to vector<1024xf32>
    %min3A = arith.constant 0.000000e+00 : f32
    %min3A_9 = vector.broadcast %min3A : f32 to vector<1024xf32>
    %min3A_10 = arith.minimumf %reduce_sum3A_8, %min3A_9 : vector<1024xf32>
    %abs3A = math.absf %reduce_sum3A_8 : vector<1024xf32>
    %neg3A = arith.constant 0.000000e+00 : f32
    %neg3A_11 = vector.broadcast %neg3A : f32 to vector<1024xf32>
    %neg3A_12 = arith.subf %neg3A_11, %abs3A : vector<1024xf32>
    %exp3A = math.exp %neg3A_12 : vector<1024xf32>
    %log1p3A = math.log1p %exp3A : vector<1024xf32>
    %sub3A = arith.subf %min3A_10, %log1p3A : vector<1024xf32>
    %get3A_13 = arith.constant 0 : index
    %get3A_14 = arith.constant 0 : index
    %get3A_15 = arith.constant 0 : index
    %get3A_16 = vector.load %arg3[%get3A_13, %get3A_14, %get3A_15] : memref<128x8x16xf32, #tpu.memory_space<vmem>>, vector<128x8x16xf32>
    %get3A_17 = arith.constant 0 : index
    %get3A_18 = arith.constant 0 : index
    %get3A_19 = arith.constant 0 : index
    %get3A_20 = vector.load %arg4[%get3A_17, %get3A_18, %get3A_19] : memref<128x8x16xf32, #tpu.memory_space<vmem>>, vector<128x8x16xf32>
    %add3A = arith.addf %get3A_16, %get3A_20 : vector<128x8x16xf32>
    %get3A_21 = arith.constant 0 : index
    %get3A_22 = arith.constant 0 : index
    %get3A_23 = arith.constant 0 : index
    %get3A_24 = vector.load %arg5[%get3A_21, %get3A_22, %get3A_23] : memref<128x8x16xf32, #tpu.memory_space<vmem>>, vector<128x8x16xf32>
    %add3A_25 = arith.addf %add3A, %get3A_24 : vector<128x8x16xf32>
    %get3A_26 = arith.constant 0 : index
    %get3A_27 = arith.constant 0 : index
    %get3A_28 = arith.constant 0 : index
    %get3A_29 = vector.load %arg6[%get3A_26, %get3A_27, %get3A_28] : memref<128x8x16xf32, #tpu.memory_space<vmem>>, vector<128x8x16xf32>
    %add3A_30 = arith.addf %add3A_25, %get3A_29 : vector<128x8x16xf32>
    %get3A_31 = arith.constant 0 : index
    %get3A_32 = arith.constant 0 : index
    %get3A_33 = arith.constant 0 : index
    %get3A_34 = vector.load %arg7[%get3A_31, %get3A_32, %get3A_33] : memref<128x8x16xf32, #tpu.memory_space<vmem>>, vector<128x8x16xf32>
    %add3A_35 = arith.addf %add3A_30, %get3A_34 : vector<128x8x16xf32>
    %reshape3A_36 = vector.shape_cast %add3A_35 : vector<128x8x16xf32> to vector<1024x16xf32>
    %mul3A_37 = arith.mulf %reshape3A_36, %reshape3A : vector<1024x16xf32>
    %reduce_sum3A_38 = arith.constant dense<0.000000e+00> : vector<1024xf32>
    %reduce_sum3A_39 = vector.multi_reduction <add>, %mul3A_37, %reduce_sum3A_38 [1] : vector<1024x16xf32> to vector<1024xf32>
    %neg3A_40 = arith.constant 0.000000e+00 : f32
    %neg3A_41 = vector.broadcast %neg3A_40 : f32 to vector<1024xf32>
    %neg3A_42 = arith.subf %neg3A_41, %reduce_sum3A_39 : vector<1024xf32>
    %reduce_max3A = vector.shape_cast %neg3A_42 : vector<1024xf32> to vector<1x1024xf32>
    %reduce_max3A_43 = arith.constant dense<0xFF800000> : vector<1xf32>
    %reduce_max3A_44 = vector.multi_reduction <maximumf>, %reduce_max3A, %reduce_max3A_43 [1] : vector<1x1024xf32> to vector<1xf32>
    %reduce_max3A_45 = vector.shape_cast %reduce_max3A_44 : vector<1xf32> to vector<1x1xf32>
    %reduce_max3A_46 = vector.extract %reduce_max3A_45[0, 0] : f32 from vector<1x1xf32>
    %reduce_sum3A_47 = vector.shape_cast %sub3A : vector<1024xf32> to vector<1x1024xf32>
    %reduce_sum3A_48 = arith.constant dense<0.000000e+00> : vector<1xf32>
    %reduce_sum3A_49 = vector.multi_reduction <add>, %reduce_sum3A_47, %reduce_sum3A_48 [1] : vector<1x1024xf32> to vector<1xf32>
    %reduce_sum3A_50 = vector.shape_cast %reduce_sum3A_49 : vector<1xf32> to vector<1x1xf32>
    %reduce_sum3A_51 = vector.extract %reduce_sum3A_50[0, 0] : f32 from vector<1x1xf32>
    %broadcast_in_dim3A = vector.broadcast %reduce_sum3A_51 : f32 to vector<1x128xf32>
    %reduce_sum3A_52 = vector.shape_cast %neg3A_42 : vector<1024xf32> to vector<1x1024xf32>
    %reduce_sum3A_53 = arith.constant dense<0.000000e+00> : vector<1xf32>
    %reduce_sum3A_54 = vector.multi_reduction <add>, %reduce_sum3A_52, %reduce_sum3A_53 [1] : vector<1x1024xf32> to vector<1xf32>
    %reduce_sum3A_55 = vector.shape_cast %reduce_sum3A_54 : vector<1xf32> to vector<1x1xf32>
    %reduce_sum3A_56 = vector.extract %reduce_sum3A_55[0, 0] : f32 from vector<1x1xf32>
    %broadcast_in_dim3A_57 = vector.broadcast %reduce_sum3A_56 : f32 to vector<1x128xf32>
    %broadcast_in_dim3A_58 = vector.broadcast %reduce_max3A_46 : f32 to vector<1x128xf32>
    %sub3A_59 = vector.broadcast %reduce_max3A_46 : f32 to vector<1024xf32>
    %sub3A_60 = arith.subf %neg3A_42, %sub3A_59 : vector<1024xf32>
    %exp3A_61 = math.exp %sub3A_60 : vector<1024xf32>
    %reduce_sum3A_62 = vector.shape_cast %exp3A_61 : vector<1024xf32> to vector<1x1024xf32>
    %reduce_sum3A_63 = arith.constant dense<0.000000e+00> : vector<1xf32>
    %reduce_sum3A_64 = vector.multi_reduction <add>, %reduce_sum3A_62, %reduce_sum3A_63 [1] : vector<1x1024xf32> to vector<1xf32>
    %reduce_sum3A_65 = vector.shape_cast %reduce_sum3A_64 : vector<1xf32> to vector<1x1xf32>
    %reduce_sum3A_66 = vector.extract %reduce_sum3A_65[0, 0] : f32 from vector<1x1xf32>
    %broadcast_in_dim3A_67 = vector.broadcast %reduce_sum3A_66 : f32 to vector<1x128xf32>
    %eq3A = arith.constant 0 : i32
    %eq3A_68 = arith.cmpi eq, %arg0, %eq3A : i32
    %convert_element_type3A = arith.extui %eq3A_68 : i1 to i32
    %cond3A = arith.constant 0 : i32
    %cond3A_69 = arith.cmpi ne, %convert_element_type3A, %cond3A : i32
    scf.if %cond3A_69 {
      %swap3A = arith.constant 0 : index
      %swap3A_79 = arith.constant 0 : index
      %swap3A_80 = vector.load %arg9[%swap3A, %swap3A_79] : memref<1x128xf32, #tpu.memory_space<vmem>>, vector<1x128xf32>
      tpu.vector_store %arg9[%swap3A, %swap3A_79], %broadcast_in_dim3A {strides = array<i32>} : memref<1x128xf32, #tpu.memory_space<vmem>>, vector<1x128xf32>,
      %swap3A_81 = arith.constant 0 : index
      %swap3A_82 = arith.constant 0 : index
      %swap3A_83 = vector.load %arg10[%swap3A_81, %swap3A_82] : memref<1x128xf32, #tpu.memory_space<vmem>>, vector<1x128xf32>
      tpu.vector_store %arg10[%swap3A_81, %swap3A_82], %broadcast_in_dim3A_57 {strides = array<i32>} : memref<1x128xf32, #tpu.memory_space<vmem>>, vector<1x128xf32>,
      %swap3A_84 = arith.constant 0 : index
      %swap3A_85 = arith.constant 0 : index
      %swap3A_86 = vector.load %arg11[%swap3A_84, %swap3A_85] : memref<1x128xf32, #tpu.memory_space<vmem>>, vector<1x128xf32>
      tpu.vector_store %arg11[%swap3A_84, %swap3A_85], %broadcast_in_dim3A_58 {strides = array<i32>} : memref<1x128xf32, #tpu.memory_space<vmem>>, vector<1x128xf32>,
      %swap3A_87 = arith.constant 0 : index
      %swap3A_88 = arith.constant 0 : index
      %swap3A_89 = vector.load %arg12[%swap3A_87, %swap3A_88] : memref<1x128xf32, #tpu.memory_space<vmem>>, vector<1x128xf32>
      tpu.vector_store %arg12[%swap3A_87, %swap3A_88], %broadcast_in_dim3A_67 {strides = array<i32>} : memref<1x128xf32, #tpu.memory_space<vmem>>, vector<1x128xf32>,
    } else {
    }
    %gt3A = arith.constant 0 : i32
    %gt3A_70 = arith.cmpi sgt, %arg0, %gt3A : i32
    %convert_element_type3A_71 = arith.extui %gt3A_70 : i1 to i32
    %cond3A_72 = arith.constant 0 : i32
    %cond3A_73 = arith.cmpi ne, %convert_element_type3A_71, %cond3A_72 : i32
    scf.if %cond3A_73 {
      %get3A_79 = arith.constant 0 : index
      %get3A_80 = arith.constant 0 : index
      %get3A_81 = vector.load %arg11[%get3A_79, %get3A_80] : memref<1x128xf32, #tpu.memory_space<vmem>>, vector<1x128xf32>
      %max3A = arith.maximumf %get3A_81, %broadcast_in_dim3A_58 : vector<1x128xf32>
      %get3A_82 = arith.constant 0 : index
      %get3A_83 = arith.constant 0 : index
      %get3A_84 = vector.load %arg12[%get3A_82, %get3A_83] : memref<1x128xf32, #tpu.memory_space<vmem>>, vector<1x128xf32>
      %sub3A_85 = arith.subf %get3A_81, %max3A : vector<1x128xf32>
      %exp3A_86 = math.exp %sub3A_85 : vector<1x128xf32>
      %mul3A_87 = arith.mulf %get3A_84, %exp3A_86 : vector<1x128xf32>
      %sub3A_88 = arith.subf %broadcast_in_dim3A_58, %max3A : vector<1x128xf32>
      %exp3A_89 = math.exp %sub3A_88 : vector<1x128xf32>
      %mul3A_90 = arith.mulf %broadcast_in_dim3A_67, %exp3A_89 : vector<1x128xf32>
      %add3A_91 = arith.addf %mul3A_87, %mul3A_90 : vector<1x128xf32>
      %swap3A = arith.constant 0 : index
      %swap3A_92 = arith.constant 0 : index
      %swap3A_93 = vector.load %arg12[%swap3A, %swap3A_92] : memref<1x128xf32, #tpu.memory_space<vmem>>, vector<1x128xf32>
      tpu.vector_store %arg12[%swap3A, %swap3A_92], %add3A_91 {strides = array<i32>} : memref<1x128xf32, #tpu.memory_space<vmem>>, vector<1x128xf32>,
      %swap3A_94 = arith.constant 0 : index
      %swap3A_95 = arith.constant 0 : index
      %swap3A_96 = vector.load %arg11[%swap3A_94, %swap3A_95] : memref<1x128xf32, #tpu.memory_space<vmem>>, vector<1x128xf32>
      tpu.vector_store %arg11[%swap3A_94, %swap3A_95], %max3A {strides = array<i32>} : memref<1x128xf32, #tpu.memory_space<vmem>>, vector<1x128xf32>,
      %get3A_97 = arith.constant 0 : index
      %get3A_98 = arith.constant 0 : index
      %get3A_99 = vector.load %arg9[%get3A_97, %get3A_98] : memref<1x128xf32, #tpu.memory_space<vmem>>, vector<1x128xf32>
      %add3A_100 = arith.addf %get3A_99, %broadcast_in_dim3A : vector<1x128xf32>
      %swap3A_101 = arith.constant 0 : index
      %swap3A_102 = arith.constant 0 : index
      %swap3A_103 = vector.load %arg9[%swap3A_101, %swap3A_102] : memref<1x128xf32, #tpu.memory_space<vmem>>, vector<1x128xf32>
      tpu.vector_store %arg9[%swap3A_101, %swap3A_102], %add3A_100 {strides = array<i32>} : memref<1x128xf32, #tpu.memory_space<vmem>>, vector<1x128xf32>,
      %get3A_104 = arith.constant 0 : index
      %get3A_105 = arith.constant 0 : index
      %get3A_106 = vector.load %arg10[%get3A_104, %get3A_105] : memref<1x128xf32, #tpu.memory_space<vmem>>, vector<1x128xf32>
      %add3A_107 = arith.addf %get3A_106, %broadcast_in_dim3A_57 : vector<1x128xf32>
      %swap3A_108 = arith.constant 0 : index
      %swap3A_109 = arith.constant 0 : index
      %swap3A_110 = vector.load %arg10[%swap3A_108, %swap3A_109] : memref<1x128xf32, #tpu.memory_space<vmem>>, vector<1x128xf32>
      tpu.vector_store %arg10[%swap3A_108, %swap3A_109], %add3A_107 {strides = array<i32>} : memref<1x128xf32, #tpu.memory_space<vmem>>, vector<1x128xf32>,
    } else {
    }
    %eq3A_74 = arith.constant 15 : i32
    %eq3A_75 = arith.cmpi eq, %arg0, %eq3A_74 : i32
    %convert_element_type3A_76 = arith.extui %eq3A_75 : i1 to i32
    %cond3A_77 = arith.constant 0 : i32
    %cond3A_78 = arith.cmpi ne, %convert_element_type3A_76, %cond3A_77 : i32
    scf.if %cond3A_78 {
      %get3A_79 = arith.constant 0 : index
      %get3A_80 = arith.constant 0 : index
      %get3A_81 = vector.load %arg11[%get3A_79, %get3A_80] : memref<1x128xf32, #tpu.memory_space<vmem>>, vector<1x128xf32>
      %get3A_82 = arith.constant 0 : index
      %get3A_83 = arith.constant 0 : index
      %get3A_84 = vector.load %arg12[%get3A_82, %get3A_83] : memref<1x128xf32, #tpu.memory_space<vmem>>, vector<1x128xf32>
      %log3A = math.log %get3A_84 : vector<1x128xf32>
      %add3A_85 = arith.addf %get3A_81, %log3A : vector<1x128xf32>
      %get3A_86 = arith.constant 0 : index
      %get3A_87 = arith.constant 0 : index
      %get3A_88 = vector.load %arg10[%get3A_86, %get3A_87] : memref<1x128xf32, #tpu.memory_space<vmem>>, vector<1x128xf32>
      %mul3A_89 = arith.constant 1.638400e+04 : f32
      %mul3A_90 = vector.broadcast %mul3A_89 : f32 to vector<1x128xf32>
      %mul3A_91 = arith.mulf %mul3A_90, %add3A_85 : vector<1x128xf32>
      %sub3A_92 = arith.subf %get3A_88, %mul3A_91 : vector<1x128xf32>
      %get3A_93 = arith.constant 0 : index
      %get3A_94 = arith.constant 0 : index
      %get3A_95 = vector.load %arg9[%get3A_93, %get3A_94] : memref<1x128xf32, #tpu.memory_space<vmem>>, vector<1x128xf32>
      %add3A_96 = arith.addf %get3A_95, %sub3A_92 : vector<1x128xf32>
      %neg3A_97 = arith.constant 0.000000e+00 : f32
      %neg3A_98 = vector.broadcast %neg3A_97 : f32 to vector<1x128xf32>
      %neg3A_99 = arith.subf %neg3A_98, %add3A_96 : vector<1x128xf32>
      %swap3A = arith.constant 0 : index
      %swap3A_100 = arith.constant 0 : index
      %swap3A_101 = vector.load %arg8[%swap3A, %swap3A_100] : memref<1x128xf32, #tpu.memory_space<vmem>>, vector<1x128xf32>
      tpu.vector_store %arg8[%swap3A, %swap3A_100], %neg3A_99 {strides = array<i32>} : memref<1x128xf32, #tpu.memory_space<vmem>>, vector<1x128xf32>,
    } else {
    }
    return
  }
  func.func @transform_0(%arg0: i32) -> (i32, i32, i32) {
    %c0_i32 = arith.constant 0 : i32
    %c0_i32_0 = arith.constant 0 : i32
    %c0_i32_1 = arith.constant 0 : i32
    return %arg0, %c0_i32, %c0_i32_0 : i32, i32, i32
  }
  func.func @transform_1(%arg0: i32) -> (i32, i32, i32) {
    %add3A = arith.constant 0 : i32
    %add3A_0 = arith.addi %add3A, %arg0 : i32
    %c0_i32 = arith.constant 0 : i32
    %c0_i32_1 = arith.constant 0 : i32
    %c0_i32_2 = arith.constant 0 : i32
    return %add3A_0, %c0_i32, %c0_i32_1 : i32, i32, i32
  }
  func.func @transform_2(%arg0: i32) -> (i32, i32, i32) {
    %add3A = arith.constant 16 : i32
    %add3A_0 = arith.addi %add3A, %arg0 : i32
    %c0_i32 = arith.constant 0 : i32
    %c0_i32_1 = arith.constant 0 : i32
    %c0_i32_2 = arith.constant 0 : i32
    return %add3A_0, %c0_i32, %c0_i32_1 : i32, i32, i32
  }
  func.func @transform_3(%arg0: i32) -> (i32, i32, i32) {
    %add3A = arith.constant 32 : i32
    %add3A_0 = arith.addi %add3A, %arg0 : i32
    %c0_i32 = arith.constant 0 : i32
    %c0_i32_1 = arith.constant 0 : i32
    %c0_i32_2 = arith.constant 0 : i32
    return %add3A_0, %c0_i32, %c0_i32_1 : i32, i32, i32
  }
  func.func @transform_4(%arg0: i32) -> (i32, i32, i32) {
    %add3A = arith.constant 48 : i32
    %add3A_0 = arith.addi %add3A, %arg0 : i32
    %c0_i32 = arith.constant 0 : i32
    %c0_i32_1 = arith.constant 0 : i32
    %c0_i32_2 = arith.constant 0 : i32
    return %add3A_0, %c0_i32, %c0_i32_1 : i32, i32, i32
  }
  func.func @transform_5(%arg0: i32) -> (i32, i32, i32) {
    %add3A = arith.constant 64 : i32
    %add3A_0 = arith.addi %add3A, %arg0 : i32
    %c0_i32 = arith.constant 0 : i32
    %c0_i32_1 = arith.constant 0 : i32
    %c0_i32_2 = arith.constant 0 : i32
    return %add3A_0, %c0_i32, %c0_i32_1 : i32, i32, i32
  }
  func.func @transform_6(%arg0: i32) -> (i32, i32, i32) {
    %add3A = arith.constant 80 : i32
    %add3A_0 = arith.addi %add3A, %arg0 : i32
    %c0_i32 = arith.constant 0 : i32
    %c0_i32_1 = arith.constant 0 : i32
    %c0_i32_2 = arith.constant 0 : i32
    return %add3A_0, %c0_i32, %c0_i32_1 : i32, i32, i32
  }
  func.func @transform_7(%arg0: i32) -> (i32, i32) {
    %c0_i32 = arith.constant 0 : i32
    %c0_i32_0 = arith.constant 0 : i32
    %c0_i32_1 = arith.constant 0 : i32
    return %c0_i32, %c0_i32_0 : i32, i32
  }
}

</mosaic_0001>

<sc_bundles>
// kernel: kernel.5.cloned.1.call-start
scs
__scs_entry_jumppad:
0x0: {  	(pc) =	sbr.rel $0x88, $3  }
0x1: {  	(tag) =	ssettag $0x0;
	lr =	simm.s32 $0x1  }
0x2: {  	[smem:$0x3F9C] =	sst lr;
	_ =	strace $0xD0000000  }
0x3: {  	_ = 	snop  }
0x4: {  	_ = 	snop  }
0x5: {  	_ = 	snop  }
0x6: {  	_ = 	snop  }
0x7: {  	_ = 	snop  }
__scs_overlays_trampoline_lowered:
0x8: {  	[smem:$0x3FAB] =	sst s0  }
0x9: {  	[smem:$0x3FAC] =	sst s1  }
0xa: {  	[smem:$0x3FAD] =	sst s2  }
0xb: {  	[smem:$0x3FAE] =	sst s3  }
0xc: {  	[smem:$0x3FAF] =	sst s4  }
0xd: {  	[smem:$0x3FB0] =	sst s5  }
0xe: {  	[smem:$0x3FB1] =	sst s6  }
0xf: {  	[smem:$0x3FB2] =	sst s7  }
0x10: {  	[smem:$0x3FB3] =	sst s8  }
0x11: {  	[smem:$0x3FB4] =	sst s9;
	s0 =	simm.s32 @!p0 $0x0  }
0x12: {  	s1 =	sld [smem:$0x3F9A];
	s0 =	simm.s32 @p0 $0x1  }
0x13: {  	[smem:$0x3FB5] =	sst s0;
	s0 =	simm.s32 @!p1 $0x0  }
0x14: {  	s2 =	sld [smem:$0x3F99];
	s0 =	simm.s32 @p1 $0x1  }
0x15: {  	[smem:$0x3FB6] =	sst s0;
	s0 =	simm.s32 @!p2 $0x0  }
0x16: {  	s3 =	sld [smem:$0x3FDB];
	s0 =	simm.s32 @p2 $0x1  }
0x17: {  	s4 =	simm.s32 $0x1BF5;
	[smem:$0x3FB8] =	sst s0  }
0x18: {  	s0 =	sld [smem:$0x3F9B];
	_ =	swait.ge [sflag:s4], $0x0  }
0x19: {  	s7 =	sld [smem:$0x3F9C]  }
0x1a: {  	s8 =	sadd.s32 $0xFFFFE003, lr  }
0x1b: {  	s9 =	sadd.s32 $0xFFFFFEF7, lr;
	s5 =	simm.s32 $0xFFFFFFFF;
	p2 =	slt.u32 s8, $0xFFFFF086  }
0x1c: {  	p1 =	slt.u32 s9, $0xF7A;
	s5 =	simm.s32 @!p2 $0x0  }
0x1d: {  	s5 =	simm.s32 @p1 $0x1;
	p0 =	seq.s32 s7, s2  }
0x1e: {  	s7 =	smul.u32 @!p0 $0xF7A, s2;
	p2 =	seq.s32 @!p0 s5, $0x0  }
0x1f: {  	s9 =	smul.u32 $0xF7A, s1;
	s8 =	simm.s32 @!p0 $0x1BF5;
	p2 =	por !p2, p0  }
0x20: {  	[sflag:s8] =	ssyncset.s32 @!p0 $0xFFFFF086;
	s6 =	sadd.s32 @!p0 s3, s7;
	s7 =	simm.s32 @!p0 $0x108  }
0x21: {  	s3 =	sadd.s32 s3, s9;
	s6 =	sadd.s32 @!p0 $0x88, s6;
	s7 =	simm.s32 @p2 $0x1082  }
0x22: {  	[simem:s7], [sflag:s8] =	dma.local @!p0 [hbm:s6], $0xF7A  }
0x23: {  	s9 =	sor.u32 $0xD0000000, s2;
	s6 =	simm.s32 $0x108;
	_ =	swait.ge @!p0 [sflag:s8], $0x0  }
0x24: {  	s3 =	sadd.s32 $0x88, s3;
	s6 =	simm.s32 @!p1 $0x1082;
	[sflag:s4] =	ssyncset.s32 $0xFFFFF086  }
0x25: {  	[simem:s6], [sflag:s4] =	dma.local [hbm:s3], $0xF7A  }
0x26: {  	[smem:$0x3F9C] =	sst s1;
	(tag) =	ssettag s2;
	_ =	strace s9  }
0x27: {  	s1 =	sld [smem:$0x3FAC]  }
0x28: {  	s2 =	sld [smem:$0x3FAD]  }
0x29: {  	s4 =	sld [smem:$0x3FAF]  }
0x2a: {  	p0 =	seq.s32 s5, $0x0;
	s5 =	sld [smem:$0x3FB0]  }
0x2b: {  	s6 =	sld [smem:$0x3FB1]  }
0x2c: {  	s7 =	sld [smem:$0x3FB2]  }
0x2d: {  	s3 =	simm.s32 $0x108;
	s8 =	sld [smem:$0x3FB3]  }
0x2e: {  	s3 =	simm.s32 @!p0 $0x1082;
	s9 =	sld [smem:$0x3FB4]  }
0x2f: {  	lr =	sadd.s32 s0, s3;
	s0 =	sld [smem:$0x3FAB]  }
0x30: {  	s3 =	sld [smem:$0x3FAE]  }
0x31: {  	[smem:$0x3FB7] =	sst s10  }
0x32: {  	s10 =	sld [smem:$0x3FB5];
	_ =	sdelay $0x3  }
0x33: {  	p0 =	seq.s32 s10, $0x1;
	s10 =	sld [smem:$0x3FB7];
	_ =	sdelay $0x3  }
0x34: {  	[smem:$0x3FB7] =	sst s10  }
0x35: {  	s10 =	sld [smem:$0x3FB6];
	_ =	sdelay $0x3  }
0x36: {  	p1 =	seq.s32 s10, $0x1;
	s10 =	sld [smem:$0x3FB7];
	_ =	sdelay $0x3  }
0x37: {  	[smem:$0x3FB7] =	sst s10  }
0x38: {  	s10 =	sld [smem:$0x3FB8]  }
0x39: {  	_ = 	snop;
	(pc) =	sbr.ind lr, $3  }
0x3a: {  	_ = 	snop  }
0x3b: {  	_ = 	snop  }
0x3c: {  	p2 =	seq.s32 s10, $0x1;
	s10 =	sld [smem:$0x3FB7]  }
0x3d: {  	_ =	shalt  }
0x3e: {  	_ =	shalt  }
0x3f: {  	_ =	shalt  }
0x40: {  	_ =	shalt  }
0x41: {  	_ =	shalt  }
0x42: {  	_ =	shalt  }
0x43: {  	_ =	shalt  }
0x44: {  	_ =	shalt  }
0x45: {  	_ =	shalt  }
0x46: {  	_ =	shalt  }
0x47: {  	_ =	shalt  }
0x48: {  	_ =	shalt  }
0x49: {  	_ =	shalt  }
0x4a: {  	_ =	shalt  }
0x4b: {  	_ =	shalt  }
0x4c: {  	_ =	shalt  }
0x4d: {  	_ =	shalt  }
0x4e: {  	_ =	shalt  }
0x4f: {  	_ =	shalt  }
0x50: {  	_ =	shalt  }
0x51: {  	_ =	shalt  }
0x52: {  	_ =	shalt  }
0x53: {  	_ =	shalt  }
0x54: {  	_ =	shalt  }
0x55: {  	_ =	shalt  }
0x56: {  	_ =	shalt  }
0x57: {  	_ =	shalt  }
0x58: {  	_ =	shalt  }
0x59: {  	_ =	shalt  }
0x5a: {  	_ =	shalt  }
0x5b: {  	_ =	shalt  }
0x5c: {  	_ =	shalt  }
0x5d: {  	_ =	shalt  }
0x5e: {  	_ =	shalt  }
0x5f: {  	_ =	shalt  }
0x60: {  	_ =	shalt  }
0x61: {  	_ =	shalt  }
0x62: {  	_ =	shalt  }
0x63: {  	_ =	shalt  }
0x64: {  	_ =	shalt  }
0x65: {  	_ =	shalt  }
0x66: {  	_ =	shalt  }
0x67: {  	_ =	shalt  }
0x68: {  	_ =	shalt  }
0x69: {  	_ =	shalt  }
0x6a: {  	_ =	shalt  }
0x6b: {  	_ =	shalt  }
0x6c: {  	_ =	shalt  }
0x6d: {  	_ =	shalt  }
0x6e: {  	_ =	shalt  }
0x6f: {  	_ =	shalt  }
0x70: {  	_ =	shalt  }
0x71: {  	_ =	shalt  }
0x72: {  	_ =	shalt  }
0x73: {  	_ =	shalt  }
0x74: {  	_ =	shalt  }
0x75: {  	_ =	shalt  }
0x76: {  	_ =	shalt  }
0x77: {  	_ =	shalt  }
0x78: {  	_ =	shalt  }
0x79: {  	_ =	shalt  }
0x7a: {  	_ =	shalt  }
0x7b: {  	_ =	shalt  }
0x7c: {  	_ =	shalt  }
0x7d: {  	_ =	shalt  }
0x7e: {  	_ =	shalt  }
0x7f: {  	_ =	shalt  }
0x80: {  	_ =	shalt  }
0x81: {  	_ =	shalt  }
0x82: {  	_ =	shalt  }
0x83: {  	_ =	shalt  }
0x84: {  	_ =	shalt  }
0x85: {  	_ =	shalt  }
0x86: {  	_ =	shalt  }
0x87: {  	_ =	shalt  }
.Lfunc_end0:
.L_simem_size_0:
called_computation_lowered:
.L_overlay_start_0:
0x88: {  	s2 =	sld [smem:$0x3FD9]  }
0x89: {  	s3 =	sld [smem:$0x3FFE];
	_ =	sdelay $0x1  }
0x8a: {  	s1 =	srdreg.scid  }
0x8b: {  	s0 =	sand.u32 $0x1, s1  }
0x8c: {  	s17 =	sshll.u32 s0, $0xA;
	s2 =	sadd.s32 s3, s2  }
0x8d: {  	s2 =	sadd.s32 s2, s17  }
0x8e: {  	[smem:$0x3FC3] =	sst s2  }
0x8f: {  	_ = 	snop  }
0x90: {  	(tm) =	ssettm $0x1  }
0x91: {  	s18 =	sld [smem:$0x3FFB];
	_ =	sdelay $0x3  }
0x92: {  	_ =	strace s18  }
0x93: {  	s2 =	sld [smem:$0x3FFC];
	_ =	sdelay $0x3  }
0x94: {  	_ =	strace s2  }
0x95: {  	s2 =	sld [smem:$0x3FFD];
	_ =	sdelay $0x3  }
0x96: {  	_ =	strace s2  }
0x97: {  	_ =	strace $0x8FFFFFFF  }
0x98: {  	s19 =	sld [smem:$0x3FDB];
	_ =	sdelay $0x1  }
0x99: {  	s20 =	simm.s32 $_scs_section_size  }
0x9a: {  	s4 =	simm.s32 $_size__tile_overlayer_lowered;
	s5 =	simm.s32 $_tile_overlayer_lowered  }
0x9b: {  	s6 =	simm.s32 $0x1BFF;
	s21 =	sshll.u32 s5, $0x1;
	s3 =	sadd.s32 s20, s19  }
0x9c: {  	s22 =	simm.s32 $0x0;
	s4 =	sshll.u32 s4, $0x1;
	s5 =	sadd.s32 s21, s3  }
0x9d: {  	[timem:s22], [sflag:s6] =	dma.local [hbm:s5], s4  }
0x9e: {  	_ =	swait.ge [sflag:s6], s4  }
0x9f: {  	s4 =	ssub.s32 $0x0, s4;
	[sflag:s6] =	ssyncset.done $0x0  }
0xa0: {  	[sflag:s6] =	ssyncadd.s32 s4;
	_ =	sdelay $0x1  }
0xa1: {  	s23 =	simm.s32 $0x1B8B  }
0xa2: {  	_ =	swait.ge [sflag:s23], $0x1  }
0xa3: {  	[sflag:s23] =	ssyncset.done $0x0  }
0xa4: {  	[sflag:s23] =	ssyncadd.s32 $0xFFFFFFFF  }
0xa5: {  	s4 =	sld [smem:$0x0]  }
0xa6: {  	s5 =	sand.u32 $0xFFFFFFFE, s1  }
0xa7: {  	p0 =	sne.s32 s1, s5  }
0xa8: {  	s5 =	sshll.u32 @p0 s5, $0xE  }
0xa9: {  	s5 =	sadd.s32 @p0 $0x11B8D, s5;
	s6 =	sshll.u32 @p0 s4, $0x11  }
0xaa: {  	s5 =	sor.u32 @p0 s6, s5  }
0xab: {  	[sflag:s5] =	ssyncadd.remote.s32 @p0 $0x1;
	_ =	sdelay $0x1  }
0xac: {  	s5 =	simm.s32 @p0 $0x1B8D  }
0xad: {  	_ =	swait.eq @p0 [sflag:s5], $0x1  }
0xae: {  	[sflag:s5] =	ssyncadd.s32 @p0 $0xFFFFFFFF  }
0xaf: {  	s6 =	sshll.u32 @!p0 s1, $0xE  }
0xb0: {  	s6 =	sor.u32 @!p0 $0x4000, s6;
	s5 =	simm.s32 @!p0 $0x1B8D  }
0xb1: {  	s4 =	sshll.u32 @!p0 s4, $0x11;
	s6 =	sadd.s32 @!p0 $0x11B8D, s6;
	_ =	swait.eq @!p0 [sflag:s5], $0x1  }
0xb2: {  	s4 =	sor.u32 @!p0 s4, s6;
	[sflag:s5] =	ssyncadd.s32 @!p0 $0xFFFFFFFF  }
0xb3: {  	s25 =	simm.s32 $0x1B8E;
	s24 =	sld [smem:$0x3FFE];
	[sflag:s4] =	ssyncadd.remote.s32 @!p0 $0x1  }
0xb4: {  	s26 =	simm.s32 $execute0_lowered;
	[smem:$0x3FD2] =	sst s25  }
0xb5: {  	s5 =	sshll.u32 s26, $0x1;
	_ =	strace $0x80000049;
	[dreg:$0x1] =	wrdreg $0xFFFFFFFF  }
0xb6: {  	s28 =	simm.s32 $_size_execute0_lowered;
	s3 =	sadd.s32 s3, s5;
	[dreg:$0x0] =	wrdreg $0x0  }
0xb7: {  	s5 =	sshll.u32 s28, $0x1;
	[dreg:$0x2] =	wrdreg s3  }
0xb8: {  	[dreg:$0x3] =	wrdreg s5  }
0xb9: {  	[dreg:$0x4] =	wrdreg $0xC0  }
0xba: {  	_ =	task [dreg:s22], $0x5FFFF  }
0xbb: {  	[dreg:$0x1] =	wrdreg $0xFFFFFFFF  }
0xbc: {  	[dreg:$0x0] =	wrdreg $0x60  }
0xbd: {  	[dreg:$0x2] =	wrdreg s24  }
0xbe: {  	[dreg:$0x3] =	wrdreg $0x9  }
0xbf: {  	_ =	task.clear_ibuf [dreg:s22], $0x4FFFF;
	_ =	strace $0x90000049  }
0xc0: {  	s29 =	simm.s32 $0x9;
	_ =	strace $0x8000004B  }
0xc1: {  	_ =	swait.ge [sflag:s29], $0x1  }
0xc2: {  	[sflag:s29] =	ssyncadd.s32 $0xFFFFFFFF  }
0xc3: {  	_ =	strace $0x9000004B  }
0xc4: {  	_ =	sfence  }
0xc5: {  	s30 =	sld [smem:$0x0];
	_ =	sdelay $0x2  }
0xc6: {  	s31 =	sshll.u32 s1, $0xD;
	s1 =	sshrl.u32 s1, $0x2  }
0xc7: {  	s4 =	sand.u32 $0x4000, s31;
	s1 =	sadd.s32 s1, s30  }
0xc8: {  	s0 =	sor.u32 s4, s0;
	s1 =	sshll.u32 s1, $0x11  }
0xc9: {  	s0 =	sor.u32 s1, s0  }
0xca: {  	s0 =	sadd.s32 $0x8F2B, s0  }
0xcb: {  	[sflag:s0] =	ssyncadd.remote.s32 $0x1  }
0xcc: {  	_ =	sfence.sel $0xFFFF  }
0xcd: {  	[dreg:$0x0] =	wrdreg $0xFFFFFFFF;
	(pc) =	sbr.abs _section_cstart, $3  }
0xce: {  	[dreg:$0x1] =	wrdreg $0xFFFFFFFF  }
0xcf: {  	_ =	task.clear_ibuf [dreg:s22], $0x2FFFF;
	_ =	strace $0x9FFFFFFF  }
0xd0: {  	(tm) =	ssettm $0x7FFFFFFF  }
0xd1: {  	_ =	shalt  }
tec
execute0_lowered:
.L_overlay_start_1:
0x0: {  	(tag) =	ssettag $0x1  }
0x1: {  	s0 =	srdreg.scid;
	s2 =	stileid.u32  }
0x2: {  	s1 =	sand.u32 $0x1, s0;
	s2 =	sshll.u32 s2, $0x1  }
0x3: {  	s4 =	rddreg [dreg:$0x0];
	s0 =	sor.u32 s1, s2;
	s2 =	simm.s32 $0x0  }
0x4: {  	s5 =	simm.s32 $0x100;
	[smem:$0x7FF] =	sst s2  }
0x5: {  	s6 =	simm.s32 $0x1C00;
	_ =	strace $0x8000004A;
	[dreg:$0x5] =	wrdreg s5  }
0x6: {  	s7 =	simm.s32 $0x180;
	[dreg:$0x6] =	wrdreg s6  }
0x7: {  	s8 =	simm.s32 $0x2400;
	[dreg:$0x7] =	wrdreg s7  }
0x8: {  	s9 =	simm.s32 $0x200;
	[dreg:$0x8] =	wrdreg s8  }
0x9: {  	s10 =	simm.s32 $0x2C00;
	[dreg:$0x9] =	wrdreg s9  }
0xa: {  	s11 =	simm.s32 $0x280;
	[dreg:$0xa] =	wrdreg s10  }
0xb: {  	s12 =	simm.s32 $0x3400;
	[dreg:$0xb] =	wrdreg s11  }
0xc: {  	s13 =	simm.s32 $0x300;
	[dreg:$0xc] =	wrdreg s12  }
0xd: {  	s14 =	simm.s32 $0x3C00;
	[dreg:$0xd] =	wrdreg s13  }
0xe: {  	s15 =	simm.s32 $0x380;
	[dreg:$0xe] =	wrdreg s14  }
0xf: {  	s16 =	simm.s32 $0x4400;
	[dreg:$0xf] =	wrdreg s15  }
0x10: {  	s17 =	simm.s32 $0x400;
	[dreg:$0x10] =	wrdreg s16  }
0x11: {  	s18 =	simm.s32 $0x4C00;
	[dreg:$0x11] =	wrdreg s17  }
0x12: {  	s19 =	simm.s32 $0x480;
	[dreg:$0x12] =	wrdreg s18  }
0x13: {  	s20 =	simm.s32 $0x5400;
	[dreg:$0x13] =	wrdreg s19  }
0x14: {  	s21 =	simm.s32 $0x500;
	[dreg:$0x14] =	wrdreg s20  }
0x15: {  	s22 =	simm.s32 $0x5C00;
	[dreg:$0x15] =	wrdreg s21  }
0x16: {  	s23 =	simm.s32 $0x580;
	s3 =	smul.u32 $0x180, s0;
	[dreg:$0x16] =	wrdreg s22  }
0x17: {  	s24 =	simm.s32 $0x6400;
	s0 =	smul.u32 $0x1800, s0;
	[dreg:$0x17] =	wrdreg s23  }
0x18: {  	s25 =	simm.s32 $0x600;
	[dreg:$0x18] =	wrdreg s24;
	s3 =	sadd.s32 s3, s4  }
0x19: {  	[dreg:$0x19] =	wrdreg s25;
	s0 =	sadd.s32 s0, s4;
	s3 =	sadd.s32 $0x1F1200, s3  }
0x1a: {  	s0 =	sadd.s32 $0x1F4200, s0;
	[dreg:$0x2] =	wrdreg s3  }
0x1b: {  	[dreg:$0x3] =	wrdreg s0;
	s3 =	simm.s32 $0x1400  }
0x1c: {  	[dreg:$0x4] =	wrdreg s3  }
0x1d: {  	s5 =	rddreg [dreg:$0x2];
	s3 =	simm.s32 $0x2  }
0x1e: {  	[tilespmem:s2], [sflag:$0x2] =	stream.linear.gather [hbm4b:s5+s2], $0xC00, $0x38;
	[tilespmem:$0xCC00] =	vst v63  }
0x1f: {  	_ =	swait.ge [sflag:s3], $0xC00  }
0x20: {  	s0 =	rddreg [dreg:$0x18]  }
0x21: {  	s7 =	rddreg [dreg:$0x16]  }
0x22: {  	s8 =	rddreg [dreg:$0x14]  }
0x23: {  	s9 =	rddreg [dreg:$0x12]  }
0x24: {  	s10 =	rddreg [dreg:$0x10]  }
0x25: {  	s11 =	rddreg [dreg:$0xe]  }
0x26: {  	s12 =	rddreg [dreg:$0xc]  }
0x27: {  	s6 =	simm.s32 $0x80;
	s13 =	rddreg [dreg:$0xa]  }
0x28: {  	s5 =	sadd.s32 $0x8C00, s4;
	s14 =	rddreg [dreg:$0x5];
	[sflag:s3] =	ssyncset.done $0x0  }
0x29: {  	s4 =	simm.s32 $0xC00;
	s15 =	rddreg [dreg:$0x4];
	[sflag:s3] =	ssyncadd.s32 $0xFFFFF400  }
0x2a: {  	[tilespmem:s4], [sflag:$0x1] =	stream.indirect.gather [hbm4b:s5+s6], $0x10, s2, s6, $0xb8;
	[tilespmem:$0xCC00] =	vst v63  }
0x2b: {  	s16 =	rddreg [dreg:$0x6]  }
0x2c: {  	[tilespmem:s15], [sflag:$0x1] =	stream.indirect.gather [hbm4b:s5+s6], $0x10, s6, s6, $0xb8;
	[tilespmem:$0xCC00] =	vst v63  }
0x2d: {  	s17 =	rddreg [dreg:$0x8]  }
0x2e: {  	[tilespmem:s16], [sflag:$0x1] =	stream.indirect.gather [hbm4b:s5+s6], $0x10, s14, s6, $0xb8;
	[tilespmem:$0xCC00] =	vst v63  }
0x2f: {  	s26 =	rddreg [dreg:$0x7]  }
0x30: {  	[tilespmem:s17], [sflag:$0x1] =	stream.indirect.gather [hbm4b:s5+s6], $0x10, s26, s6, $0xb8;
	[tilespmem:$0xCC00] =	vst v63  }
0x31: {  	s16 =	rddreg [dreg:$0x9]  }
0x32: {  	[tilespmem:s13], [sflag:$0x1] =	stream.indirect.gather [hbm4b:s5+s6], $0x10, s16, s6, $0xb8;
	[tilespmem:$0xCC00] =	vst v63  }
0x33: {  	s18 =	rddreg [dreg:$0xb]  }
0x34: {  	[tilespmem:s12], [sflag:$0x1] =	stream.indirect.gather [hbm4b:s5+s6], $0x10, s18, s6, $0xb8;
	[tilespmem:$0xCC00] =	vst v63  }
0x35: {  	s19 =	rddreg [dreg:$0xd]  }
0x36: {  	[tilespmem:s11], [sflag:$0x1] =	stream.indirect.gather [hbm4b:s5+s6], $0x10, s19, s6, $0xb8;
	[tilespmem:$0xCC00] =	vst v63  }
0x37: {  	s20 =	rddreg [dreg:$0xf]  }
0x38: {  	[tilespmem:s10], [sflag:$0x1] =	stream.indirect.gather [hbm4b:s5+s6], $0x10, s20, s6, $0xb8;
	[tilespmem:$0xCC00] =	vst v63  }
0x39: {  	s21 =	rddreg [dreg:$0x11]  }
0x3a: {  	[tilespmem:s9], [sflag:$0x1] =	stream.indirect.gather [hbm4b:s5+s6], $0x10, s21, s6, $0xb8;
	[tilespmem:$0xCC00] =	vst v63  }
0x3b: {  	s22 =	rddreg [dreg:$0x13]  }
0x3c: {  	[tilespmem:s8], [sflag:$0x1] =	stream.indirect.gather [hbm4b:s5+s6], $0x10, s22, s6, $0xb8;
	[tilespmem:$0xCC00] =	vst v63  }
0x3d: {  	s23 =	rddreg [dreg:$0x15]  }
0x3e: {  	[tilespmem:s7], [sflag:$0x1] =	stream.indirect.gather [hbm4b:s5+s6], $0x10, s23, s6, $0xb8;
	[tilespmem:$0xCC00] =	vst v63  }
0x3f: {  	s24 =	rddreg [dreg:$0x17]  }
0x40: {  	[tilespmem:s0], [sflag:$0x1] =	stream.indirect.gather [hbm4b:s5+s6], $0x10, s24, s6, $0xb8;
	[tilespmem:$0xCC00] =	vst v63  }
0x41: {  	s25 =	rddreg [dreg:$0x19];
	s26 =	simm.s32 $0x6C00  }
0x42: {  	[tilespmem:s26], [sflag:$0x1] =	stream.indirect.gather [hbm4b:s5+s6], $0x10, s25, s6, $0xb8;
	[tilespmem:$0xCC00] =	vst v63  }
0x43: {  	s8 =	simm.s32 $0x7400;
	s7 =	simm.s32 $0x680  }
0x44: {  	[tilespmem:s8], [sflag:$0x1] =	stream.indirect.gather [hbm4b:s5+s6], $0x10, s7, s6, $0xb8;
	[tilespmem:$0xCC00] =	vst v63  }
0x45: {  	s10 =	simm.s32 $0x7C00;
	s9 =	simm.s32 $0x700  }
0x46: {  	[tilespmem:s10], [sflag:$0x1] =	stream.indirect.gather [hbm4b:s5+s6], $0x10, s9, s6, $0xb8;
	[tilespmem:$0xCC00] =	vst v63  }
0x47: {  	s12 =	simm.s32 $0x8400;
	s11 =	simm.s32 $0x780  }
0x48: {  	[tilespmem:s12], [sflag:$0x1] =	stream.indirect.gather [hbm4b:s5+s6], $0x10, s11, s6, $0xb8;
	[tilespmem:$0xCC00] =	vst v63  }
0x49: {  	s14 =	simm.s32 $0x8C00;
	s13 =	simm.s32 $0x800  }
0x4a: {  	[tilespmem:s14], [sflag:$0x1] =	stream.indirect.gather [hbm4b:s5+s6], $0x10, s13, s6, $0xb8;
	[tilespmem:$0xCC00] =	vst v63  }
0x4b: {  	s15 =	simm.s32 $0x880;
	s16 =	simm.s32 $0x9400  }
0x4c: {  	[tilespmem:s16], [sflag:$0x1] =	stream.indirect.gather [hbm4b:s5+s6], $0x10, s15, s6, $0xb8;
	[tilespmem:$0xCC00] =	vst v63  }
0x4d: {  	s18 =	simm.s32 $0x900;
	s19 =	simm.s32 $0x9C00  }
0x4e: {  	[tilespmem:s19], [sflag:$0x1] =	stream.indirect.gather [hbm4b:s5+s6], $0x10, s18, s6, $0xb8;
	[tilespmem:$0xCC00] =	vst v63  }
0x4f: {  	s20 =	simm.s32 $0x980;
	s21 =	simm.s32 $0xA400  }
0x50: {  	[tilespmem:s21], [sflag:$0x1] =	stream.indirect.gather [hbm4b:s5+s6], $0x10, s20, s6, $0xb8;
	[tilespmem:$0xCC00] =	vst v63  }
0x51: {  	s22 =	simm.s32 $0xA00;
	s23 =	simm.s32 $0xAC00  }
0x52: {  	[tilespmem:s23], [sflag:$0x1] =	stream.indirect.gather [hbm4b:s5+s6], $0x10, s22, s6, $0xb8;
	[tilespmem:$0xCC00] =	vst v63  }
0x53: {  	s24 =	simm.s32 $0xA80;
	s25 =	simm.s32 $0xB400  }
0x54: {  	[tilespmem:s25], [sflag:$0x1] =	stream.indirect.gather [hbm4b:s5+s6], $0x10, s24, s6, $0xb8;
	[tilespmem:$0xCC00] =	vst v63  }
0x55: {  	s28 =	simm.s32 $0xB00;
	s29 =	simm.s32 $0xBC00  }
0x56: {  	[tilespmem:s29], [sflag:$0x1] =	stream.indirect.gather [hbm4b:s5+s6], $0x10, s28, s6, $0xb8;
	[tilespmem:$0xCC00] =	vst v63  }
0x57: {  	s30 =	simm.s32 $0xB80;
	s31 =	simm.s32 $0xC400;
	s26 =	simm.s32 $0x1  }
0x58: {  	[tilespmem:s31], [sflag:$0x1] =	stream.indirect.gather [hbm4b:s5+s6], $0x10, s30, s6, $0xb8;
	[tilespmem:$0xCC00] =	vst v63  }
0x59: {  	_ =	swait.ge [sflag:s26], $0x800  }
0x5a: {  	[sflag:s26] =	ssyncset.done $0x0  }
0x5b: {  	[sflag:s26] =	ssyncadd.s32 $0xFFFFF800  }
0x5c: {  	_ =	swait.ge [sflag:s26], $0x800  }
0x5d: {  	[sflag:s26] =	ssyncset.done $0x0  }
0x5e: {  	[sflag:s26] =	ssyncadd.s32 $0xFFFFF800  }
0x5f: {  	_ =	swait.ge [sflag:s26], $0x800  }
0x60: {  	[sflag:s26] =	ssyncset.done $0x0  }
0x61: {  	[sflag:s26] =	ssyncadd.s32 $0xFFFFF800  }
0x62: {  	_ =	swait.ge [sflag:s26], $0x800  }
0x63: {  	[sflag:s26] =	ssyncset.done $0x0  }
0x64: {  	[sflag:s26] =	ssyncadd.s32 $0xFFFFF800  }
0x65: {  	_ =	swait.ge [sflag:s26], $0x800  }
0x66: {  	[sflag:s26] =	ssyncset.done $0x0  }
0x67: {  	[sflag:s26] =	ssyncadd.s32 $0xFFFFF800  }
0x68: {  	_ =	swait.ge [sflag:s26], $0x800  }
0x69: {  	[sflag:s26] =	ssyncset.done $0x0  }
0x6a: {  	[sflag:s26] =	ssyncadd.s32 $0xFFFFF800  }
0x6b: {  	_ =	swait.ge [sflag:s26], $0x800  }
0x6c: {  	[sflag:s26] =	ssyncset.done $0x0  }
0x6d: {  	[sflag:s26] =	ssyncadd.s32 $0xFFFFF800  }
0x6e: {  	_ =	swait.ge [sflag:s26], $0x800  }
0x6f: {  	[sflag:s26] =	ssyncset.done $0x0  }
0x70: {  	[sflag:s26] =	ssyncadd.s32 $0xFFFFF800  }
0x71: {  	_ =	swait.ge [sflag:s26], $0x800  }
0x72: {  	[sflag:s26] =	ssyncset.done $0x0  }
0x73: {  	[sflag:s26] =	ssyncadd.s32 $0xFFFFF800  }
0x74: {  	_ =	swait.ge [sflag:s26], $0x800  }
0x75: {  	[sflag:s26] =	ssyncset.done $0x0  }
0x76: {  	[sflag:s26] =	ssyncadd.s32 $0xFFFFF800  }
0x77: {  	_ =	swait.ge [sflag:s26], $0x800  }
0x78: {  	[sflag:s26] =	ssyncset.done $0x0  }
0x79: {  	[sflag:s26] =	ssyncadd.s32 $0xFFFFF800  }
0x7a: {  	_ =	swait.ge [sflag:s26], $0x800  }
0x7b: {  	[sflag:s26] =	ssyncset.done $0x0  }
0x7c: {  	[sflag:s26] =	ssyncadd.s32 $0xFFFFF800  }
0x7d: {  	_ =	swait.ge [sflag:s26], $0x800  }
0x7e: {  	[sflag:s26] =	ssyncset.done $0x0  }
0x7f: {  	[sflag:s26] =	ssyncadd.s32 $0xFFFFF800  }
0x80: {  	_ =	swait.ge [sflag:s26], $0x800  }
0x81: {  	[sflag:s26] =	ssyncset.done $0x0  }
0x82: {  	[sflag:s26] =	ssyncadd.s32 $0xFFFFF800  }
0x83: {  	_ =	swait.ge [sflag:s26], $0x800  }
0x84: {  	[sflag:s26] =	ssyncset.done $0x0  }
0x85: {  	[sflag:s26] =	ssyncadd.s32 $0xFFFFF800  }
0x86: {  	_ =	swait.ge [sflag:s26], $0x800  }
0x87: {  	[sflag:s26] =	ssyncset.done $0x0  }
0x88: {  	[sflag:s26] =	ssyncadd.s32 $0xFFFFF800  }
0x89: {  	_ =	swait.ge [sflag:s26], $0x800  }
0x8a: {  	[sflag:s26] =	ssyncset.done $0x0  }
0x8b: {  	[sflag:s26] =	ssyncadd.s32 $0xFFFFF800  }
0x8c: {  	_ =	swait.ge [sflag:s26], $0x800  }
0x8d: {  	[sflag:s26] =	ssyncset.done $0x0  }
0x8e: {  	[sflag:s26] =	ssyncadd.s32 $0xFFFFF800  }
0x8f: {  	_ =	swait.ge [sflag:s26], $0x800  }
0x90: {  	[sflag:s26] =	ssyncset.done $0x0  }
0x91: {  	s17 =	ssub.s32 $0x2, s1;
	[sflag:s26] =	ssyncadd.s32 $0xFFFFF800  }
0x92: {  	s1 =	sshrl.u32 s17, $0x1;
	_ =	swait.ge [sflag:s26], $0x800  }
0x93: {  	s0 =	ssub.s32 s17, s1;
	[sflag:s26] =	ssyncset.done $0x0  }
0x94: {  	s0 =	smax.u32 s0, $0x1;
	[sflag:s26] =	ssyncadd.s32 $0xFFFFF800  }
0x95: {  	p0 =	sne.s32 s0, $0x1;
	_ =	swait.ge [sflag:s26], $0x800  }
.Ltmp0:
0x96: {  	[sflag:s26] =	ssyncset.done $0x0;
	(pc) =	sbr.rel @!p0 .LBB2_2-.Ltmp0, $4  }
0x97: {  	[sflag:s26] =	ssyncadd.s32 $0xFFFFF800  }
0x98: {  	_ =	swait.ge [sflag:s26], $0x800  }
0x99: {  	[sflag:s26] =	ssyncset.done $0x0  }
0x9a: {  	s1 =	sadd.s32 $0xFFFFFFFF, s0;
	[sflag:s26] =	ssyncadd.s32 $0xFFFFF800  }
.LBB2_1:
0x9b: {  	_ =	swait.ge [sflag:s26], $0x800  }
0x9c: {  	[sflag:s26] =	ssyncset.done $0x0  }
0x9d: {  	[sflag:s26] =	ssyncadd.s32 $0xFFFFF800  }
0x9e: {  	_ =	swait.ge [sflag:s26], $0x800  }
0x9f: {  	[sflag:s26] =	ssyncset.done $0x0  }
0xa0: {  	s0 =	rddreg [dreg:$0x3];
	[sflag:s26] =	ssyncadd.s32 $0xFFFFF800  }
0xa1: {  	[hbm4b:s0+s2] =	stream.linear.scatter [tilespmem:s4], [sflag:$0x2], $0xC000, $0x38;
	[tilespmem:$0xCC00] =	vst v63  }
0xa2: {  	_ =	swait.ge [sflag:s3], $0xC000  }
0xa3: {  	[sflag:s3] =	ssyncset.done $0x0  }
0xa4: {  	s15 =	rddreg [dreg:$0x2];
	[sflag:s3] =	ssyncadd.s32 $0xFFFF4000  }
0xa5: {  	[tilespmem:s2], [sflag:$0x2] =	stream.linear.gather [hbm4b:s15+s2], $0xC00, $0x38;
	[tilespmem:$0xCC00] =	vst v63  }
0xa6: {  	_ =	swait.ge [sflag:s3], $0xC00  }
0xa7: {  	s0 =	rddreg [dreg:$0x18]  }
0xa8: {  	s7 =	rddreg [dreg:$0x16]  }
0xa9: {  	s8 =	rddreg [dreg:$0x14]  }
0xaa: {  	s9 =	rddreg [dreg:$0x12]  }
0xab: {  	s10 =	rddreg [dreg:$0x10]  }
0xac: {  	s11 =	rddreg [dreg:$0xe]  }
0xad: {  	s12 =	rddreg [dreg:$0xc]  }
0xae: {  	s13 =	rddreg [dreg:$0xa]  }
0xaf: {  	s14 =	rddreg [dreg:$0x5];
	[sflag:s3] =	ssyncset.done $0x0  }
0xb0: {  	s15 =	rddreg [dreg:$0x4];
	[sflag:s3] =	ssyncadd.s32 $0xFFFFF400  }
0xb1: {  	[tilespmem:s4], [sflag:$0x1] =	stream.indirect.gather [hbm4b:s5+s6], $0x10, s2, s6, $0xb8;
	[tilespmem:$0xCC00] =	vst v63  }
0xb2: {  	s16 =	rddreg [dreg:$0x6]  }
0xb3: {  	[tilespmem:s15], [sflag:$0x1] =	stream.indirect.gather [hbm4b:s5+s6], $0x10, s6, s6, $0xb8;
	[tilespmem:$0xCC00] =	vst v63  }
0xb4: {  	s17 =	rddreg [dreg:$0x8]  }
0xb5: {  	[tilespmem:s16], [sflag:$0x1] =	stream.indirect.gather [hbm4b:s5+s6], $0x10, s14, s6, $0xb8;
	[tilespmem:$0xCC00] =	vst v63  }
0xb6: {  	s15 =	rddreg [dreg:$0x7]  }
0xb7: {  	[tilespmem:s17], [sflag:$0x1] =	stream.indirect.gather [hbm4b:s5+s6], $0x10, s15, s6, $0xb8;
	[tilespmem:$0xCC00] =	vst v63  }
0xb8: {  	s16 =	rddreg [dreg:$0x9]  }
0xb9: {  	[tilespmem:s13], [sflag:$0x1] =	stream.indirect.gather [hbm4b:s5+s6], $0x10, s16, s6, $0xb8;
	[tilespmem:$0xCC00] =	vst v63  }
0xba: {  	s17 =	rddreg [dreg:$0xb]  }
0xbb: {  	[tilespmem:s12], [sflag:$0x1] =	stream.indirect.gather [hbm4b:s5+s6], $0x10, s17, s6, $0xb8;
	[tilespmem:$0xCC00] =	vst v63  }
0xbc: {  	s14 =	rddreg [dreg:$0xd]  }
0xbd: {  	[tilespmem:s11], [sflag:$0x1] =	stream.indirect.gather [hbm4b:s5+s6], $0x10, s14, s6, $0xb8;
	[tilespmem:$0xCC00] =	vst v63  }
0xbe: {  	s16 =	rddreg [dreg:$0xf]  }
0xbf: {  	[tilespmem:s10], [sflag:$0x1] =	stream.indirect.gather [hbm4b:s5+s6], $0x10, s16, s6, $0xb8;
	[tilespmem:$0xCC00] =	vst v63  }
0xc0: {  	s17 =	rddreg [dreg:$0x11]  }
0xc1: {  	[tilespmem:s9], [sflag:$0x1] =	stream.indirect.gather [hbm4b:s5+s6], $0x10, s17, s6, $0xb8;
	[tilespmem:$0xCC00] =	vst v63  }
0xc2: {  	s13 =	rddreg [dreg:$0x13]  }
0xc3: {  	[tilespmem:s8], [sflag:$0x1] =	stream.indirect.gather [hbm4b:s5+s6], $0x10, s13, s6, $0xb8;
	[tilespmem:$0xCC00] =	vst v63  }
0xc4: {  	s14 =	rddreg [dreg:$0x15]  }
0xc5: {  	[tilespmem:s7], [sflag:$0x1] =	stream.indirect.gather [hbm4b:s5+s6], $0x10, s14, s6, $0xb8;
	[tilespmem:$0xCC00] =	vst v63  }
0xc6: {  	s15 =	rddreg [dreg:$0x17]  }
0xc7: {  	[tilespmem:s0], [sflag:$0x1] =	stream.indirect.gather [hbm4b:s5+s6], $0x10, s15, s6, $0xb8;
	[tilespmem:$0xCC00] =	vst v63  }
0xc8: {  	s16 =	rddreg [dreg:$0x19];
	s17 =	simm.s32 $0x6C00  }
0xc9: {  	[tilespmem:s17], [sflag:$0x1] =	stream.indirect.gather [hbm4b:s5+s6], $0x10, s16, s6, $0xb8;
	[tilespmem:$0xCC00] =	vst v63  }
0xca: {  	s9 =	simm.s32 $0x7400;
	s8 =	simm.s32 $0x680  }
0xcb: {  	[tilespmem:s9], [sflag:$0x1] =	stream.indirect.gather [hbm4b:s5+s6], $0x10, s8, s6, $0xb8;
	[tilespmem:$0xCC00] =	vst v63  }
0xcc: {  	s11 =	simm.s32 $0x7C00;
	s10 =	simm.s32 $0x700  }
0xcd: {  	[tilespmem:s11], [sflag:$0x1] =	stream.indirect.gather [hbm4b:s5+s6], $0x10, s10, s6, $0xb8;
	[tilespmem:$0xCC00] =	vst v63  }
0xce: {  	s12 =	simm.s32 $0x780;
	s13 =	simm.s32 $0x8400  }
0xcf: {  	[tilespmem:s13], [sflag:$0x1] =	stream.indirect.gather [hbm4b:s5+s6], $0x10, s12, s6, $0xb8;
	[tilespmem:$0xCC00] =	vst v63  }
0xd0: {  	s14 =	simm.s32 $0x800;
	s15 =	simm.s32 $0x8C00  }
0xd1: {  	[tilespmem:s15], [sflag:$0x1] =	stream.indirect.gather [hbm4b:s5+s6], $0x10, s14, s6, $0xb8;
	[tilespmem:$0xCC00] =	vst v63  }
0xd2: {  	s16 =	simm.s32 $0x880;
	s17 =	simm.s32 $0x9400  }
0xd3: {  	[tilespmem:s17], [sflag:$0x1] =	stream.indirect.gather [hbm4b:s5+s6], $0x10, s16, s6, $0xb8;
	[tilespmem:$0xCC00] =	vst v63  }
0xd4: {  	_ = 	snop  }
0xd5: {  	[tilespmem:s19], [sflag:$0x1] =	stream.indirect.gather [hbm4b:s5+s6], $0x10, s18, s6, $0xb8;
	[tilespmem:$0xCC00] =	vst v63  }
0xd6: {  	_ = 	snop  }
0xd7: {  	[tilespmem:s21], [sflag:$0x1] =	stream.indirect.gather [hbm4b:s5+s6], $0x10, s20, s6, $0xb8;
	[tilespmem:$0xCC00] =	vst v63  }
0xd8: {  	_ = 	snop  }
0xd9: {  	[tilespmem:s23], [sflag:$0x1] =	stream.indirect.gather [hbm4b:s5+s6], $0x10, s22, s6, $0xb8;
	[tilespmem:$0xCC00] =	vst v63  }
0xda: {  	_ = 	snop  }
0xdb: {  	[tilespmem:s25], [sflag:$0x1] =	stream.indirect.gather [hbm4b:s5+s6], $0x10, s24, s6, $0xb8;
	[tilespmem:$0xCC00] =	vst v63  }
0xdc: {  	_ = 	snop  }
0xdd: {  	[tilespmem:s29], [sflag:$0x1] =	stream.indirect.gather [hbm4b:s5+s6], $0x10, s28, s6, $0xb8;
	[tilespmem:$0xCC00] =	vst v63  }
0xde: {  	_ = 	snop  }
0xdf: {  	[tilespmem:s31], [sflag:$0x1] =	stream.indirect.gather [hbm4b:s5+s6], $0x10, s30, s6, $0xb8;
	[tilespmem:$0xCC00] =	vst v63  }
0xe0: {  	_ =	swait.ge [sflag:s26], $0x800  }
0xe1: {  	[sflag:s26] =	ssyncset.done $0x0  }
0xe2: {  	[sflag:s26] =	ssyncadd.s32 $0xFFFFF800  }
0xe3: {  	_ =	swait.ge [sflag:s26], $0x800  }
0xe4: {  	[sflag:s26] =	ssyncset.done $0x0  }
0xe5: {  	[sflag:s26] =	ssyncadd.s32 $0xFFFFF800  }
0xe6: {  	_ =	swait.ge [sflag:s26], $0x800  }
0xe7: {  	[sflag:s26] =	ssyncset.done $0x0  }
0xe8: {  	[sflag:s26] =	ssyncadd.s32 $0xFFFFF800  }
0xe9: {  	_ =	swait.ge [sflag:s26], $0x800  }
0xea: {  	[sflag:s26] =	ssyncset.done $0x0  }
0xeb: {  	[sflag:s26] =	ssyncadd.s32 $0xFFFFF800  }
0xec: {  	_ =	swait.ge [sflag:s26], $0x800  }
0xed: {  	[sflag:s26] =	ssyncset.done $0x0  }
0xee: {  	[sflag:s26] =	ssyncadd.s32 $0xFFFFF800  }
0xef: {  	_ =	swait.ge [sflag:s26], $0x800  }
0xf0: {  	[sflag:s26] =	ssyncset.done $0x0  }
0xf1: {  	[sflag:s26] =	ssyncadd.s32 $0xFFFFF800  }
0xf2: {  	_ =	swait.ge [sflag:s26], $0x800  }
0xf3: {  	[sflag:s26] =	ssyncset.done $0x0  }
0xf4: {  	[sflag:s26] =	ssyncadd.s32 $0xFFFFF800  }
0xf5: {  	_ =	swait.ge [sflag:s26], $0x800  }
0xf6: {  	[sflag:s26] =	ssyncset.done $0x0  }
0xf7: {  	[sflag:s26] =	ssyncadd.s32 $0xFFFFF800  }
0xf8: {  	_ =	swait.ge [sflag:s26], $0x800  }
0xf9: {  	[sflag:s26] =	ssyncset.done $0x0  }
0xfa: {  	[sflag:s26] =	ssyncadd.s32 $0xFFFFF800  }
0xfb: {  	_ =	swait.ge [sflag:s26], $0x800  }
0xfc: {  	[sflag:s26] =	ssyncset.done $0x0  }
0xfd: {  	[sflag:s26] =	ssyncadd.s32 $0xFFFFF800  }
0xfe: {  	_ =	swait.ge [sflag:s26], $0x800  }
0xff: {  	[sflag:s26] =	ssyncset.done $0x0  }
0x100: {  	[sflag:s26] =	ssyncadd.s32 $0xFFFFF800  }
0x101: {  	_ =	swait.ge [sflag:s26], $0x800  }
0x102: {  	[sflag:s26] =	ssyncset.done $0x0  }
0x103: {  	[sflag:s26] =	ssyncadd.s32 $0xFFFFF800  }
0x104: {  	_ =	swait.ge [sflag:s26], $0x800  }
0x105: {  	[sflag:s26] =	ssyncset.done $0x0  }
0x106: {  	[sflag:s26] =	ssyncadd.s32 $0xFFFFF800  }
0x107: {  	_ =	swait.ge [sflag:s26], $0x800  }
0x108: {  	[sflag:s26] =	ssyncset.done $0x0  }
0x109: {  	[sflag:s26] =	ssyncadd.s32 $0xFFFFF800  }
0x10a: {  	_ =	swait.ge [sflag:s26], $0x800  }
0x10b: {  	[sflag:s26] =	ssyncset.done $0x0  }
0x10c: {  	[sflag:s26] =	ssyncadd.s32 $0xFFFFF800  }
0x10d: {  	_ =	swait.ge [sflag:s26], $0x800  }
0x10e: {  	[sflag:s26] =	ssyncset.done $0x0  }
0x10f: {  	[sflag:s26] =	ssyncadd.s32 $0xFFFFF800  }
0x110: {  	_ =	swait.ge [sflag:s26], $0x800  }
0x111: {  	[sflag:s26] =	ssyncset.done $0x0  }
0x112: {  	[sflag:s26] =	ssyncadd.s32 $0xFFFFF800  }
0x113: {  	_ =	swait.ge [sflag:s26], $0x800  }
0x114: {  	[sflag:s26] =	ssyncset.done $0x0  }
0x115: {  	[sflag:s26] =	ssyncadd.s32 $0xFFFFF800  }
0x116: {  	_ =	swait.ge [sflag:s26], $0x800  }
0x117: {  	[sflag:s26] =	ssyncset.done $0x0  }
0x118: {  	[sflag:s26] =	ssyncadd.s32 $0xFFFFF800  }
0x119: {  	_ =	swait.ge [sflag:s26], $0x800  }
0x11a: {  	[sflag:s26] =	ssyncset.done $0x0  }
0x11b: {  	[sflag:s26] =	ssyncadd.s32 $0xFFFFF800  }
0x11c: {  	p0 =	sne.s32 s1, $0x1;
	_ =	swait.ge [sflag:s26], $0x800  }
.Ltmp1:
0x11d: {  	[sflag:s26] =	ssyncset.done $0x0;
	(pc) =	sbr.rel @p0 .LBB2_1-.Ltmp1, $4  }
0x11e: {  	[sflag:s26] =	ssyncadd.s32 $0xFFFFF800  }
0x11f: {  	_ =	swait.ge [sflag:s26], $0x800  }
0x120: {  	[sflag:s26] =	ssyncset.done $0x0  }
0x121: {  	s1 =	sadd.s32 $0xFFFFFFFF, s1;
	[sflag:s26] =	ssyncadd.s32 $0xFFFFF800  }
.LBB2_2:
0x122: {  	_ =	swait.ge [sflag:s26], $0x800  }
0x123: {  	[sflag:s26] =	ssyncset.done $0x0  }
0x124: {  	[sflag:s26] =	ssyncadd.s32 $0xFFFFF800  }
0x125: {  	_ =	swait.ge [sflag:s26], $0x800  }
0x126: {  	[sflag:s26] =	ssyncset.done $0x0  }
0x127: {  	s0 =	rddreg [dreg:$0x3];
	[sflag:s26] =	ssyncadd.s32 $0xFFFFF800  }
0x128: {  	[hbm4b:s0+s2] =	stream.linear.scatter [tilespmem:s4], [sflag:$0x2], $0xC000, $0x38;
	[tilespmem:$0xCC00] =	vst v63  }
0x129: {  	_ =	swait.ge [sflag:s3], $0xC000  }
0x12a: {  	[sflag:s3] =	ssyncset.done $0x0  }
0x12b: {  	[sflag:s3] =	ssyncadd.s32 $0xFFFF4000  }
0x12c: {  	_ =	sfence.sel $0x180000  }
0x12d: {  	[bflag:$0x0] =	sbarrier.arrive $0xFFFF  }
0x12e: {  	_ =	strace $0x9000004A  }
0x12f: {  	s31 =	stileid.u32;
	[bflag:$0x2] =	sbarrier.arrive $0xFFFF  }
0x130: {  	p0 =	sne.s32 s31, $0x0;
	s0 =	rddreg [dreg:$0x1]  }
0x131: {  	s0 =	sadd.s32 @!p0 $0x100000, s0  }
0x132: {  	[sflag:s0] =	ssyncadd.tile.s32 @!p0 $0x1;
	_ =	shalt  }
.Lfunc_end2:
_tile_overlayer_lowered:
.L_overlay_start_2:
0x133: {  	(tag) =	ssettag $0x2  }
0x134: {  	s0 =	rddreg [dreg:$0x0];
	s2 =	stileid.u32  }
0x135: {  	s1 =	rddreg [dreg:$0x1];
	p0 =	sne.s32 s2, $0x0  }
0x136: {  	s3 =	rddreg [dreg:$0x2];
	[bflag:$0x3] =	sbarrier.arrive $0xFFFF;
	s2 =	simm.s32 @!p0 $0x1C02  }
0x137: {  	[timem:s3], [sflag:s2] =	dma.local @!p0 [hbm:s0], s1  }
0x138: {  	s0 =	simm.s32 @!p0 $0x2  }
0x139: {  	_ =	swait.ge @!p0 [sflag:s0], s1  }
0x13a: {  	s1 =	ssub.s32 @!p0 $0x0, s1;
	[sflag:s0] =	ssyncset.done @!p0 $0x0  }
0x13b: {  	[sflag:s0] =	ssyncadd.s32 @!p0 s1  }
0x13c: {  	[bflag:$0x3] =	sbarrier.arrive $0xFFFF  }
0x13d: {  	_ =	shalt  }

// kernel: kernel.8.cloned.1.call-start
scs
__scs_entry_jumppad:
0x0: {  	(pc) =	sbr.rel $0x88, $3  }
0x1: {  	(tag) =	ssettag $0x0;
	lr =	simm.s32 $0x1  }
0x2: {  	[smem:$0x3F9C] =	sst lr;
	_ =	strace $0xD0000000  }
0x3: {  	_ = 	snop  }
0x4: {  	_ = 	snop  }
0x5: {  	_ = 	snop  }
0x6: {  	_ = 	snop  }
0x7: {  	_ = 	snop  }
__scs_overlays_trampoline_lowered:
0x8: {  	[smem:$0x3FAB] =	sst s0  }
0x9: {  	[smem:$0x3FAC] =	sst s1  }
0xa: {  	[smem:$0x3FAD] =	sst s2  }
0xb: {  	[smem:$0x3FAE] =	sst s3  }
0xc: {  	[smem:$0x3FAF] =	sst s4  }
0xd: {  	[smem:$0x3FB0] =	sst s5  }
0xe: {  	[smem:$0x3FB1] =	sst s6  }
0xf: {  	[smem:$0x3FB2] =	sst s7  }
0x10: {  	[smem:$0x3FB3] =	sst s8  }
0x11: {  	[smem:$0x3FB4] =	sst s9;
	s0 =	simm.s32 @!p0 $0x0  }
0x12: {  	s1 =	sld [smem:$0x3F9A];
	s0 =	simm.s32 @p0 $0x1  }
0x13: {  	[smem:$0x3FB5] =	sst s0;
	s0 =	simm.s32 @!p1 $0x0  }
0x14: {  	s2 =	sld [smem:$0x3F99];
	s0 =	simm.s32 @p1 $0x1  }
0x15: {  	[smem:$0x3FB6] =	sst s0;
	s0 =	simm.s32 @!p2 $0x0  }
0x16: {  	s3 =	sld [smem:$0x3FDB];
	s0 =	simm.s32 @p2 $0x1  }
0x17: {  	s4 =	simm.s32 $0x1BF5;
	[smem:$0x3FB8] =	sst s0  }
0x18: {  	s0 =	sld [smem:$0x3F9B];
	_ =	swait.ge [sflag:s4], $0x0  }
0x19: {  	s7 =	sld [smem:$0x3F9C]  }
0x1a: {  	s8 =	sadd.s32 $0xFFFFE003, lr  }
0x1b: {  	s9 =	sadd.s32 $0xFFFFFEF7, lr;
	s5 =	simm.s32 $0xFFFFFFFF;
	p2 =	slt.u32 s8, $0xFFFFF086  }
0x1c: {  	p1 =	slt.u32 s9, $0xF7A;
	s5 =	simm.s32 @!p2 $0x0  }
0x1d: {  	s5 =	simm.s32 @p1 $0x1;
	p0 =	seq.s32 s7, s2  }
0x1e: {  	s7 =	smul.u32 @!p0 $0xF7A, s2;
	p2 =	seq.s32 @!p0 s5, $0x0  }
0x1f: {  	s9 =	smul.u32 $0xF7A, s1;
	s8 =	simm.s32 @!p0 $0x1BF5;
	p2 =	por !p2, p0  }
0x20: {  	[sflag:s8] =	ssyncset.s32 @!p0 $0xFFFFF086;
	s6 =	sadd.s32 @!p0 s3, s7;
	s7 =	simm.s32 @!p0 $0x108  }
0x21: {  	s3 =	sadd.s32 s3, s9;
	s6 =	sadd.s32 @!p0 $0x88, s6;
	s7 =	simm.s32 @p2 $0x1082  }
0x22: {  	[simem:s7], [sflag:s8] =	dma.local @!p0 [hbm:s6], $0xF7A  }
0x23: {  	s9 =	sor.u32 $0xD0000000, s2;
	s6 =	simm.s32 $0x108;
	_ =	swait.ge @!p0 [sflag:s8], $0x0  }
0x24: {  	s3 =	sadd.s32 $0x88, s3;
	s6 =	simm.s32 @!p1 $0x1082;
	[sflag:s4] =	ssyncset.s32 $0xFFFFF086  }
0x25: {  	[simem:s6], [sflag:s4] =	dma.local [hbm:s3], $0xF7A  }
0x26: {  	[smem:$0x3F9C] =	sst s1;
	(tag) =	ssettag s2;
	_ =	strace s9  }
0x27: {  	s1 =	sld [smem:$0x3FAC]  }
0x28: {  	s2 =	sld [smem:$0x3FAD]  }
0x29: {  	s4 =	sld [smem:$0x3FAF]  }
0x2a: {  	p0 =	seq.s32 s5, $0x0;
	s5 =	sld [smem:$0x3FB0]  }
0x2b: {  	s6 =	sld [smem:$0x3FB1]  }
0x2c: {  	s7 =	sld [smem:$0x3FB2]  }
0x2d: {  	s3 =	simm.s32 $0x108;
	s8 =	sld [smem:$0x3FB3]  }
0x2e: {  	s3 =	simm.s32 @!p0 $0x1082;
	s9 =	sld [smem:$0x3FB4]  }
0x2f: {  	lr =	sadd.s32 s0, s3;
	s0 =	sld [smem:$0x3FAB]  }
0x30: {  	s3 =	sld [smem:$0x3FAE]  }
0x31: {  	[smem:$0x3FB7] =	sst s10  }
0x32: {  	s10 =	sld [smem:$0x3FB5];
	_ =	sdelay $0x3  }
0x33: {  	p0 =	seq.s32 s10, $0x1;
	s10 =	sld [smem:$0x3FB7];
	_ =	sdelay $0x3  }
0x34: {  	[smem:$0x3FB7] =	sst s10  }
0x35: {  	s10 =	sld [smem:$0x3FB6];
	_ =	sdelay $0x3  }
0x36: {  	p1 =	seq.s32 s10, $0x1;
	s10 =	sld [smem:$0x3FB7];
	_ =	sdelay $0x3  }
0x37: {  	[smem:$0x3FB7] =	sst s10  }
0x38: {  	s10 =	sld [smem:$0x3FB8]  }
0x39: {  	_ = 	snop;
	(pc) =	sbr.ind lr, $3  }
0x3a: {  	_ = 	snop  }
0x3b: {  	_ = 	snop  }
0x3c: {  	p2 =	seq.s32 s10, $0x1;
	s10 =	sld [smem:$0x3FB7]  }
0x3d: {  	_ =	shalt  }
0x3e: {  	_ =	shalt  }
0x3f: {  	_ =	shalt  }
0x40: {  	_ =	shalt  }
0x41: {  	_ =	shalt  }
0x42: {  	_ =	shalt  }
0x43: {  	_ =	shalt  }
0x44: {  	_ =	shalt  }
0x45: {  	_ =	shalt  }
0x46: {  	_ =	shalt  }
0x47: {  	_ =	shalt  }
0x48: {  	_ =	shalt  }
0x49: {  	_ =	shalt  }
0x4a: {  	_ =	shalt  }
0x4b: {  	_ =	shalt  }
0x4c: {  	_ =	shalt  }
0x4d: {  	_ =	shalt  }
0x4e: {  	_ =	shalt  }
0x4f: {  	_ =	shalt  }
0x50: {  	_ =	shalt  }
0x51: {  	_ =	shalt  }
0x52: {  	_ =	shalt  }
0x53: {  	_ =	shalt  }
0x54: {  	_ =	shalt  }
0x55: {  	_ =	shalt  }
0x56: {  	_ =	shalt  }
0x57: {  	_ =	shalt  }
0x58: {  	_ =	shalt  }
0x59: {  	_ =	shalt  }
0x5a: {  	_ =	shalt  }
0x5b: {  	_ =	shalt  }
0x5c: {  	_ =	shalt  }
0x5d: {  	_ =	shalt  }
0x5e: {  	_ =	shalt  }
0x5f: {  	_ =	shalt  }
0x60: {  	_ =	shalt  }
0x61: {  	_ =	shalt  }
0x62: {  	_ =	shalt  }
0x63: {  	_ =	shalt  }
0x64: {  	_ =	shalt  }
0x65: {  	_ =	shalt  }
0x66: {  	_ =	shalt  }
0x67: {  	_ =	shalt  }
0x68: {  	_ =	shalt  }
0x69: {  	_ =	shalt  }
0x6a: {  	_ =	shalt  }
0x6b: {  	_ =	shalt  }
0x6c: {  	_ =	shalt  }
0x6d: {  	_ =	shalt  }
0x6e: {  	_ =	shalt  }
0x6f: {  	_ =	shalt  }
0x70: {  	_ =	shalt  }
0x71: {  	_ =	shalt  }
0x72: {  	_ =	shalt  }
0x73: {  	_ =	shalt  }
0x74: {  	_ =	shalt  }
0x75: {  	_ =	shalt  }
0x76: {  	_ =	shalt  }
0x77: {  	_ =	shalt  }
0x78: {  	_ =	shalt  }
0x79: {  	_ =	shalt  }
0x7a: {  	_ =	shalt  }
0x7b: {  	_ =	shalt  }
0x7c: {  	_ =	shalt  }
0x7d: {  	_ =	shalt  }
0x7e: {  	_ =	shalt  }
0x7f: {  	_ =	shalt  }
0x80: {  	_ =	shalt  }
0x81: {  	_ =	shalt  }
0x82: {  	_ =	shalt  }
0x83: {  	_ =	shalt  }
0x84: {  	_ =	shalt  }
0x85: {  	_ =	shalt  }
0x86: {  	_ =	shalt  }
0x87: {  	_ =	shalt  }
.Lfunc_end0:
.L_simem_size_0:
called_computation.1_lowered:
.L_overlay_start_0:
0x88: {  	s2 =	sld [smem:$0x3FD9]  }
0x89: {  	s3 =	sld [smem:$0x3FFE];
	_ =	sdelay $0x1  }
0x8a: {  	s1 =	srdreg.scid  }
0x8b: {  	s0 =	sand.u32 $0x1, s1  }
0x8c: {  	s17 =	sshll.u32 s0, $0xA;
	s2 =	sadd.s32 s3, s2  }
0x8d: {  	s2 =	sadd.s32 s2, s17  }
0x8e: {  	[smem:$0x3FC3] =	sst s2  }
0x8f: {  	_ = 	snop  }
0x90: {  	s2 =	sld [smem:$0x3FC9];
	(tm) =	ssettm $0x1  }
0x91: {  	s18 =	sld [smem:$0x3FFB];
	_ =	sdelay $0x3  }
0x92: {  	_ =	strace s18  }
0x93: {  	s3 =	sld [smem:$0x3FFC];
	_ =	sdelay $0x3  }
0x94: {  	_ =	strace s3  }
0x95: {  	s3 =	sld [smem:$0x3FFD];
	_ =	sdelay $0x3  }
0x96: {  	_ =	strace s3  }
0x97: {  	_ =	strace $0x8FFFFFFF  }
0x98: {  	s19 =	sld [smem:$0x3FDB];
	_ =	sdelay $0x1  }
0x99: {  	s4 =	simm.s32 $_scs_section_size  }
0x9a: {  	s5 =	simm.s32 $_size__tile_overlayer_lowered;
	s6 =	simm.s32 $_tile_overlayer_lowered  }
0x9b: {  	s22 =	simm.s32 $0x1BFF;
	s21 =	sshll.u32 s6, $0x1;
	s3 =	sadd.s32 s4, s19  }
0x9c: {  	s7 =	simm.s32 $0x0;
	s20 =	sshll.u32 s5, $0x1;
	s5 =	sadd.s32 s21, s3  }
0x9d: {  	[timem:s7], [sflag:s22] =	dma.local [hbm:s5], s20  }
0x9e: {  	_ =	swait.ge [sflag:s22], s20  }
0x9f: {  	s4 =	ssub.s32 $0x0, s20;
	[sflag:s22] =	ssyncset.done $0x0  }
0xa0: {  	[sflag:s22] =	ssyncadd.s32 s4;
	_ =	sdelay $0x1  }
0xa1: {  	s23 =	simm.s32 $0x1B8B  }
0xa2: {  	_ =	swait.ge [sflag:s23], $0x1  }
0xa3: {  	[sflag:s23] =	ssyncset.done $0x0  }
0xa4: {  	s25 =	simm.s32 $0x1B8E;
	s24 =	sld [smem:$0x3FFE];
	[sflag:s23] =	ssyncadd.s32 $0xFFFFFFFF  }
0xa5: {  	s26 =	simm.s32 $execute0_lowered;
	[smem:$0x3FD2] =	sst s25  }
0xa6: {  	s5 =	sshll.u32 s26, $0x1;
	_ =	strace $0x80000046;
	[dreg:$0x1] =	wrdreg $0xFFFFFFFF  }
0xa7: {  	s28 =	simm.s32 $_size_execute0_lowered;
	s3 =	sadd.s32 s3, s5;
	[dreg:$0x0] =	wrdreg $0x0  }
0xa8: {  	s5 =	sshll.u32 s28, $0x1;
	[dreg:$0x2] =	wrdreg s3  }
0xa9: {  	[dreg:$0x3] =	wrdreg s5  }
0xaa: {  	[dreg:$0x4] =	wrdreg $0xC0  }
0xab: {  	_ =	task [dreg:s7], $0x5FFFF  }
0xac: {  	[dreg:$0x1] =	wrdreg $0xFFFFFFFF  }
0xad: {  	[dreg:$0x0] =	wrdreg $0x60  }
0xae: {  	[dreg:$0x2] =	wrdreg s24  }
0xaf: {  	[dreg:$0x3] =	wrdreg s2  }
0xb0: {  	[dreg:$0x4] =	wrdreg $0xA  }
0xb1: {  	_ =	task.clear_ibuf [dreg:s7], $0x5FFFF;
	_ =	strace $0x90000046  }
0xb2: {  	s29 =	simm.s32 $0xA;
	_ =	strace $0x80000048  }
0xb3: {  	_ =	swait.ge [sflag:s29], $0x1  }
0xb4: {  	[sflag:s29] =	ssyncadd.s32 $0xFFFFFFFF  }
0xb5: {  	_ =	strace $0x90000048  }
0xb6: {  	_ =	sfence  }
0xb7: {  	s30 =	sld [smem:$0x0];
	_ =	sdelay $0x2  }
0xb8: {  	s31 =	sshll.u32 s1, $0xD;
	s1 =	sshrl.u32 s1, $0x2  }
0xb9: {  	s3 =	sand.u32 $0x4000, s31;
	s1 =	sadd.s32 s1, s30  }
0xba: {  	s0 =	sor.u32 s3, s0;
	s1 =	sshll.u32 s1, $0x11  }
0xbb: {  	s0 =	sor.u32 s1, s0  }
0xbc: {  	s0 =	sadd.s32 $0x8F2B, s0  }
0xbd: {  	[sflag:s0] =	ssyncadd.remote.s32 $0x1  }
0xbe: {  	_ =	sfence.sel $0xFFFF  }
0xbf: {  	[dreg:$0x0] =	wrdreg $0xFFFFFFFF;
	(pc) =	sbr.abs _section_cstart, $3  }
0xc0: {  	[dreg:$0x1] =	wrdreg $0xFFFFFFFF  }
0xc1: {  	_ =	task.clear_ibuf [dreg:s7], $0x2FFFF;
	_ =	strace $0x9FFFFFFF  }
0xc2: {  	(tm) =	ssettm $0x7FFFFFFF  }
0xc3: {  	_ =	shalt  }
tec
execute0_lowered:
.L_overlay_start_1:
0x0: {  	(tag) =	ssettag $0x1  }
0x1: {  	s14 =	rddreg [dreg:$0x0]  }
0x2: {  	s1 =	srdreg.scid;
	s0 =	stileid.u32  }
0x3: {  	s3 =	rddreg [dreg:$0x1];
	s15 =	sand.u32 $0x1, s1;
	s4 =	sshll.u32 s0, $0x1  }
0x4: {  	s2 =	simm.s32 $0x0;
	s1 =	rddreg [dreg:$0x2];
	s16 =	sor.u32 s15, s4  }
0x5: {  	[smem:$0x7FF] =	sst s2;
	s4 =	sshll.u32 s16, $0x6  }
0x6: {  	_ =	strace $0x80000047;
	s4 =	sadd.s32 s3, s4;
	s3 =	simm.s32 $0x2  }
0x7: {  	[tilespmem:s2], [sflag:$0x2] =	stream.linear.gather [hbm4b:s4+s2], $0x200, $0x38;
	[tilespmem:$0x2200] =	vst v63  }
0x8: {  	_ =	swait.ge [sflag:s3], $0x200  }
0x9: {  	s6 =	simm.s32 $0x80;
	[sflag:s3] =	ssyncset.done $0x0  }
0xa: {  	s7 =	simm.s32 $0x200;
	s5 =	sadd.s32 $0xF43000, s14;
	[sflag:s3] =	ssyncadd.s32 $0xFFFFFE00  }
0xb: {  	[tilespmem:s7], [sflag:$0x1] =	stream.indirect.gather [hbm4b:s5+s6], $0x10, s2, s6, $0xb8;
	[tilespmem:$0x2200] =	vst v63  }
0xc: {  	s8 =	simm.s32 $0xA00  }
0xd: {  	[tilespmem:s8], [sflag:$0x1] =	stream.indirect.gather [hbm4b:s5+s6], $0x10, s6, s6, $0xb8;
	[tilespmem:$0x2200] =	vst v63  }
0xe: {  	s9 =	simm.s32 $0x100;
	s10 =	simm.s32 $0x1200  }
0xf: {  	[tilespmem:s10], [sflag:$0x1] =	stream.indirect.gather [hbm4b:s5+s6], $0x10, s9, s6, $0xb8;
	[tilespmem:$0x2200] =	vst v63  }
0x10: {  	s11 =	simm.s32 $0x180;
	s12 =	simm.s32 $0x1A00;
	s13 =	simm.s32 $0x1  }
0x11: {  	[tilespmem:s12], [sflag:$0x1] =	stream.indirect.gather [hbm4b:s5+s6], $0x10, s11, s6, $0xb8;
	[tilespmem:$0x2200] =	vst v63  }
0x12: {  	_ =	swait.ge [sflag:s13], $0x800  }
0x13: {  	[sflag:s13] =	ssyncset.done $0x0  }
0x14: {  	[sflag:s13] =	ssyncadd.s32 $0xFFFFF800  }
0x15: {  	_ =	swait.ge [sflag:s13], $0x800  }
0x16: {  	[sflag:s13] =	ssyncset.done $0x0  }
0x17: {  	s15 =	ssub.s32 $0x2, s15;
	[sflag:s13] =	ssyncadd.s32 $0xFFFFF800  }
0x18: {  	s17 =	sshrl.u32 s15, $0x1;
	_ =	swait.ge [sflag:s13], $0x800  }
0x19: {  	s15 =	ssub.s32 s15, s17;
	[sflag:s13] =	ssyncset.done $0x0  }
0x1a: {  	s15 =	smax.u32 s15, $0x1;
	[sflag:s13] =	ssyncadd.s32 $0xFFFFF800  }
0x1b: {  	s16 =	sshll.u32 s16, $0xA;
	p0 =	sne.s32 s15, $0x1;
	_ =	swait.ge [sflag:s13], $0x800  }
.Ltmp0:
0x1c: {  	s14 =	sadd.s32 s16, s14;
	[sflag:s13] =	ssyncset.done $0x0;
	(pc) =	sbr.rel @!p0 .LBB2_2-.Ltmp0, $4  }
0x1d: {  	s14 =	sadd.s32 $0xC00, s14;
	[sflag:s13] =	ssyncadd.s32 $0xFFFFF800  }
0x1e: {  	[hbm4b:s14+s2] =	stream.linear.scatter [tilespmem:s7], [sflag:$0x2], $0x2000, $0x38;
	[tilespmem:$0x2200] =	vst v63  }
0x1f: {  	_ =	swait.ge [sflag:s3], $0x2000  }
0x20: {  	s15 =	sadd.s32 $0xFFFFFFFF, s15;
	[sflag:s3] =	ssyncset.done $0x0  }
.LBB2_1:
0x21: {  	p0 =	sne.s32 s15, $0x1;
	s15 =	sadd.s32 $0xFFFFFFFF, s15;
	[sflag:s3] =	ssyncadd.s32 $0xFFFFE000  }
0x22: {  	[tilespmem:s2], [sflag:$0x2] =	stream.linear.gather [hbm4b:s4+s2], $0x200, $0x38;
	[tilespmem:$0x2200] =	vst v63  }
0x23: {  	_ =	swait.ge [sflag:s3], $0x200  }
0x24: {  	[sflag:s3] =	ssyncset.done $0x0  }
0x25: {  	[sflag:s3] =	ssyncadd.s32 $0xFFFFFE00  }
0x26: {  	[tilespmem:s7], [sflag:$0x1] =	stream.indirect.gather [hbm4b:s5+s6], $0x10, s2, s6, $0xb8;
	[tilespmem:$0x2200] =	vst v63  }
0x27: {  	_ = 	snop  }
0x28: {  	[tilespmem:s8], [sflag:$0x1] =	stream.indirect.gather [hbm4b:s5+s6], $0x10, s6, s6, $0xb8;
	[tilespmem:$0x2200] =	vst v63  }
0x29: {  	_ = 	snop  }
0x2a: {  	[tilespmem:s10], [sflag:$0x1] =	stream.indirect.gather [hbm4b:s5+s6], $0x10, s9, s6, $0xb8;
	[tilespmem:$0x2200] =	vst v63  }
0x2b: {  	_ = 	snop  }
0x2c: {  	[tilespmem:s12], [sflag:$0x1] =	stream.indirect.gather [hbm4b:s5+s6], $0x10, s11, s6, $0xb8;
	[tilespmem:$0x2200] =	vst v63  }
0x2d: {  	_ =	swait.ge [sflag:s13], $0x800  }
0x2e: {  	[sflag:s13] =	ssyncset.done $0x0  }
0x2f: {  	[sflag:s13] =	ssyncadd.s32 $0xFFFFF800  }
0x30: {  	_ =	swait.ge [sflag:s13], $0x800  }
0x31: {  	[sflag:s13] =	ssyncset.done $0x0  }
0x32: {  	[sflag:s13] =	ssyncadd.s32 $0xFFFFF800  }
0x33: {  	_ =	swait.ge [sflag:s13], $0x800  }
0x34: {  	[sflag:s13] =	ssyncset.done $0x0  }
0x35: {  	[sflag:s13] =	ssyncadd.s32 $0xFFFFF800  }
0x36: {  	_ =	swait.ge [sflag:s13], $0x800  }
.Ltmp1:
0x37: {  	[sflag:s13] =	ssyncset.done $0x0;
	(pc) =	sbr.rel @p0 .LBB2_1-.Ltmp1, $4  }
0x38: {  	[sflag:s13] =	ssyncadd.s32 $0xFFFFF800  }
0x39: {  	[hbm4b:s14+s2] =	stream.linear.scatter [tilespmem:s7], [sflag:$0x2], $0x2000, $0x38;
	[tilespmem:$0x2200] =	vst v63  }
0x3a: {  	_ =	swait.ge [sflag:s3], $0x2000  }
0x3b: {  	[sflag:s3] =	ssyncset.done $0x0  }
.LBB2_2:
0x3c: {  	[sflag:s3] =	ssyncadd.s32 $0xFFFFE000  }
0x3d: {  	_ =	sfence.sel $0x180000  }
0x3e: {  	[bflag:$0x0] =	sbarrier.arrive $0xFFFF  }
0x3f: {  	p0 =	sne.s32 s0, $0x0;
	_ =	strace $0x90000047  }
0x40: {  	s0 =	sadd.s32 @!p0 $0x100000, s1;
	[bflag:$0x2] =	sbarrier.arrive $0xFFFF  }
0x41: {  	[sflag:s0] =	ssyncadd.tile.s32 @!p0 $0x1;
	_ =	shalt  }
.Lfunc_end2:
_tile_overlayer_lowered:
.L_overlay_start_2:
0x42: {  	(tag) =	ssettag $0x2  }
0x43: {  	s0 =	rddreg [dreg:$0x0];
	s2 =	stileid.u32  }
0x44: {  	s1 =	rddreg [dreg:$0x1];
	p0 =	sne.s32 s2, $0x0  }
0x45: {  	s3 =	rddreg [dreg:$0x2];
	[bflag:$0x3] =	sbarrier.arrive $0xFFFF;
	s2 =	simm.s32 @!p0 $0x1C02  }
0x46: {  	[timem:s3], [sflag:s2] =	dma.local @!p0 [hbm:s0], s1  }
0x47: {  	s0 =	simm.s32 @!p0 $0x2  }
0x48: {  	_ =	swait.ge @!p0 [sflag:s0], s1  }
0x49: {  	s1 =	ssub.s32 @!p0 $0x0, s1;
	[sflag:s0] =	ssyncset.done @!p0 $0x0  }
0x4a: {  	[sflag:s0] =	ssyncadd.s32 @!p0 s1  }
0x4b: {  	[bflag:$0x3] =	sbarrier.arrive $0xFFFF  }
0x4c: {  	_ =	shalt  }

</sc_bundles>
